<compile_context>
chip_gen: v7x
topology: tpu7x:2x2x1
jax: 0.10.2.dev20260603
libtpu: 0.0.44.dev20260713+nightly
codegen_flags: <defaults>
</compile_context>

<pallas_src>
import jax
import jax.numpy as jnp
from jax import lax
from jax.experimental import pallas as pl
from jax.experimental.pallas import tpu as pltpu
from jax.experimental.pallas import tpu_sc as plsc

NC = 2
NS = 16
CHUNK = 80
ECHUNK = 128


def _sc_body(x_hbm, src_hbm, dst_hbm, p_hbm, dg_hbm,
             acc_sh, idx2d, rows_v, rows_w, src_a, src_b, dst_a, dst_b,
             src_t, dst_t, deg_l, sem, sem2, sem_s, sem_s2):
    c = lax.axis_index("c")
    s = lax.axis_index("s")

    n_nodes = acc_sh.shape[0]
    d = rows_v.shape[1]
    total_chunks = n_nodes // CHUNK
    cpt = -(-total_chunks // NS)

    zero16 = jnp.zeros((16,), jnp.float32)
    one16 = jnp.ones((16,), jnp.float32)
    iota16 = lax.iota(jnp.int32, 16)

    def _guard(k, fn):
        if (k + 1) * NS <= total_chunks:
            fn()
        else:
            pl.when(k * NS + s < total_chunks)(fn)

    def _fill(i, carry):
        for j in range(d // 16):
            rows_v[i, pl.ds(j * 16, 16)] = zero16
        return carry

    lax.fori_loop(0, CHUNK, _fill, 0)

    for k in range(cpt):
        base = (k * NS + s) * CHUNK
        for i in range(CHUNK // 16):
            idx2d[k, pl.ds(i * 16, 16)] = base + (i * 16) + iota16

    for k in range(cpt):
        def _zgo(k=k):
            pltpu.async_copy(rows_v.at[pl.ds(0, CHUNK)],
                             acc_sh.at[idx2d.at[k]], sem_s)
        _guard(k, _zgo)

    def _zdeg(i, carry):
        deg_l[pl.ds(i * 16, 16)] = zero16
        return carry

    lax.fori_loop(0, n_nodes // 16, _zdeg, 0)

    for k in range(cpt):
        def _zwait(k=k):
            pltpu.make_async_copy(rows_v.at[pl.ds(0, CHUNK)],
                                  acc_sh.at[idx2d.at[k]], sem_s).wait()
        _guard(k, _zwait)

    plsc.subcore_barrier()

    ept = src_hbm.shape[0] // (NC * NS)
    w = c * NS + s
    ebase = w * ept
    nfull = ept // ECHUNK
    tail_e = ept - nfull * ECHUNK

    bufs = (rows_v, rows_w)
    sbufs = (src_a, src_b)
    dbufs = (dst_a, dst_b)
    gsems = (sem, sem2)
    ssems = (sem_s, sem_s2)

    def _start(ci, b):
        base = ebase + ci * ECHUNK
        pltpu.sync_copy(src_hbm.at[pl.ds(base, ECHUNK)], sbufs[b])
        pltpu.sync_copy(dst_hbm.at[pl.ds(base, ECHUNK)], dbufs[b])
        pltpu.async_copy(x_hbm.at[sbufs[b]], bufs[b], gsems[b])

    def _wait_scatter(b):
        pltpu.make_async_copy(bufs[b], acc_sh.at[dbufs[b]],
                              ssems[b]).wait()

    def _finish(b):
        pltpu.make_async_copy(x_hbm.at[sbufs[b]], bufs[b],
                              gsems[b]).wait()
        pltpu.async_copy(bufs[b], acc_sh.at[dbufs[b]], ssems[b],
                         add=True)
        for j in range(ECHUNK // 16):
            dst16 = dbufs[b][pl.ds(j * 16, 16)]
            plsc.addupdate_scatter(deg_l, [dst16], one16)

    _start(0, 0)
    _start(1, 1)
    n_pairs = nfull // 2
    assert nfull % 2 == 0 and tail_e % 16 == 0

    def pair_body(i2, carry):
        c0 = 2 * i2
        _finish(0)

        @pl.when(c0 + 2 < nfull)
        def _s0():
            _wait_scatter(0)
            _start(c0 + 2, 0)

        _finish(1)

        @pl.when(c0 + 3 < nfull)
        def _s1():
            _wait_scatter(1)
            _start(c0 + 3, 1)

        return carry

    lax.fori_loop(0, n_pairs, pair_body, 0)
    _wait_scatter(0)
    _wait_scatter(1)
    if tail_e:
        tb = ebase + nfull * ECHUNK
        pltpu.sync_copy(src_hbm.at[pl.ds(tb, tail_e)], src_t)
        pltpu.sync_copy(dst_hbm.at[pl.ds(tb, tail_e)], dst_t)
        pltpu.async_copy(x_hbm.at[src_t], rows_v.at[pl.ds(0, tail_e)],
                         sem).wait()
        pltpu.sync_copy(rows_v.at[pl.ds(0, tail_e)], acc_sh.at[dst_t],
                        add=True)
        for j in range(tail_e // 16):
            dst16 = dst_t[pl.ds(j * 16, 16)]
            plsc.addupdate_scatter(deg_l, [dst16], one16)

    plsc.subcore_barrier()

    def _hslice(k):
        hb = pl.multiple_of((k * NS + s) * CHUNK, 8)
        return p_hbm.at[c, pl.ds(hb, CHUNK)]

    def _wb_gather(k, b):
        pltpu.async_copy(acc_sh.at[idx2d.at[k]],
                         bufs[b].at[pl.ds(0, CHUNK)], gsems[b])

    def _wb_gwait(k, b):
        pltpu.make_async_copy(acc_sh.at[idx2d.at[k]],
                              bufs[b].at[pl.ds(0, CHUNK)],
                              gsems[b]).wait()

    def _wb_write(k, b):
        pltpu.async_copy(bufs[b].at[pl.ds(0, CHUNK)], _hslice(k),
                         ssems[b])

    def _wb_wwait(k, b):
        pltpu.make_async_copy(bufs[b].at[pl.ds(0, CHUNK)], _hslice(k),
                              ssems[b]).wait()

    def _wb_g0():
        _wb_gather(0, 0)

    def _wb_g1():
        _wb_gather(1, 1)

    _guard(0, _wb_g0)
    _guard(1, _wb_g1)
    for k in range(cpt):
        b = k % 2

        def _step(k=k, b=b):
            _wb_gwait(k, b)
            _wb_write(k, b)

        _guard(k, _step)
        if k + 2 < cpt:
            def _next(k=k, b=b):
                _wb_wwait(k, b)
                _wb_gather(k + 2, b)

            _guard(k + 2, _next)
    for k in range(cpt):
        if k + 2 >= cpt:
            _guard(k, lambda k=k: _wb_wwait(k, k % 2))
        elif (k + 3) * NS > total_chunks:
            def _residual(k=k):
                _wb_wwait(k, k % 2)

            pl.when(jnp.logical_and(k * NS + s < total_chunks,
                                    (k + 2) * NS + s >= total_chunks))(
                _residual)
    pltpu.sync_copy(deg_l, dg_hbm.at[c * NS + s, 0])


def _tc_body(p_ref, dg_ref, w_ref, b_ref, o_ref):
    nw = dg_ref.shape[1]
    sdat = p_ref[0] + p_ref[1]
    ones_col = jnp.ones((nw, 1), jnp.float32)
    deg = lax.dot_general(dg_ref[0], ones_col, (((0,), (0,)), ((), ())),
                          preferred_element_type=jnp.float32)
    m = lax.dot_general(sdat, w_ref[...], (((1,), (1,)), ((), ())),
                        preferred_element_type=jnp.float32)
    o_ref[...] = (m + deg * b_ref[...]) / jnp.maximum(deg, 1.0)


def _sc_aggregate(x, src, dst):
    n_nodes, d = x.shape
    mesh = plsc.VectorSubcoreMesh(core_axis_name="c", subcore_axis_name="s",
                                  num_cores=NC, num_subcores=NS)
    f = pl.kernel(
        _sc_body,
        out_type=[
            jax.ShapeDtypeStruct((NC, n_nodes, d), jnp.float32),
            jax.ShapeDtypeStruct((NC * NS, 1, n_nodes), jnp.float32),
        ],
        mesh=mesh,
        compiler_params=pltpu.CompilerParams(needs_layout_passes=False),
        scratch_types=[
            pltpu.VMEM_SHARED((n_nodes, d), jnp.float32),
            pltpu.VMEM((-(-(n_nodes // CHUNK) // NS), CHUNK), jnp.int32),
            pltpu.VMEM((ECHUNK, d), jnp.float32),
            pltpu.VMEM((ECHUNK, d), jnp.float32),
            pltpu.VMEM((ECHUNK,), jnp.int32),
            pltpu.VMEM((ECHUNK,), jnp.int32),
            pltpu.VMEM((ECHUNK,), jnp.int32),
            pltpu.VMEM((ECHUNK,), jnp.int32),
            pltpu.VMEM((16,), jnp.int32),
            pltpu.VMEM((16,), jnp.int32),
            pltpu.VMEM((n_nodes,), jnp.float32),
            pltpu.SemaphoreType.DMA,
            pltpu.SemaphoreType.DMA,
            pltpu.SemaphoreType.DMA,
            pltpu.SemaphoreType.DMA,
        ],
    )
    return f(x, src, dst)


def _tc_finish(p, dg3, w, b2):
    nc, n_nodes, d = p.shape
    nblk, nw, bm = dg3.shape
    grid = (n_nodes // bm,)
    return pl.pallas_call(
        _tc_body,
        grid=grid,
        in_specs=[
            pl.BlockSpec((nc, bm, d), lambda i: (0, i, 0)),
            pl.BlockSpec((1, nw, bm), lambda i: (i, 0, 0)),
            pl.BlockSpec((d, d), lambda i: (0, 0)),
            pl.BlockSpec((1, d), lambda i: (0, 0)),
        ],
        out_specs=pl.BlockSpec((bm, d), lambda i: (i, 0)),
        out_shape=jax.ShapeDtypeStruct((n_nodes, d), jnp.float32),
    )(p, dg3, w, b2)


def kernel(x, edge_index, W, b):
    n_nodes, d = x.shape
    src = edge_index[0]
    dst = edge_index[1]
    p, dg = _sc_aggregate(x, src, dst)
    bm = 2000
    dg3 = dg.reshape(NC * NS, n_nodes // bm, bm).transpose(1, 0, 2)
    return _tc_finish(p, dg3, W, b.reshape(1, -1))

# --- scband reference (transcript-rebuilt; emitter-appended) ---
"""Pipeline reference for scband-message-passing-layer-352187319219 (READ-ONLY COPY).

The authoritative reference and input builder live on the scoring server;
editing this copy changes nothing except your own understanding.
"""

import jax, jax.numpy as jnp
import numpy as np

N_NODES = 10000
N_EDGES = 320000
D_IN = 128
D_OUT = 128


def setup_inputs(seed: int = 0) -> dict:
    key = jax.random.key(seed)
    k1, k2, k3, k4 = jax.random.split(key, 4)
    x = jax.random.normal(k1, (N_NODES, D_IN), dtype=jnp.float32)
    edge_index = jax.random.randint(k2, (2, N_EDGES), 0, N_NODES, dtype=jnp.int32)
    # msg_lin parameters (nn.Linear(in_channels, out_channels)): W [out, in], b [out]
    bound = 1.0 / np.sqrt(D_IN)
    W = jax.random.uniform(k3, (D_OUT, D_IN), dtype=jnp.float32, minval=-bound, maxval=bound)
    b = jax.random.uniform(k4, (D_OUT,), dtype=jnp.float32, minval=-bound, maxval=bound)
    return {"x": x, "edge_index": edge_index, "W": W, "b": b}


def reference(x, edge_index, W, b):
    src = edge_index[0]
    dst = edge_index[1]
    num_nodes = x.shape[0]
    # msg_type == 'linear': messages = Linear(x[src])
    messages = x[src] @ W.T + b
    # aggr == 'mean': scatter-add then divide by clamped degree
    out = jax.ops.segment_sum(messages, dst, num_segments=num_nodes)
    deg = jax.ops.segment_sum(jnp.ones(dst.shape[0], dtype=x.dtype), dst, num_segments=num_nodes)
    out = out / jnp.maximum(deg, 1.0)[:, None]
    # update_type == 'replace'
    return out

if __name__ == "__main__":
    import jax
    _d = setup_inputs()
    print(jax.jit(kernel)(*tuple(_d.values())))

</pallas_src>

<mosaic_0001>
#map = affine_map<(d0, d1) -> (0, 0)>
#map1 = affine_map<(d0, d1) -> (0)>
#map2 = affine_map<(d0, d1) -> (0, 0, 0)>
module attributes {stable_mosaic.version = 14 : i64} {
  func.func @_sc_body(%arg0: i32, %arg1: i32, %arg2: memref<10000x128xf32, #tpu.memory_space<hbm>>, %arg3: memref<320000xi32, #tpu.memory_space<hbm>>, %arg4: memref<320000xi32, #tpu.memory_space<hbm>>, %arg5: memref<2x10000x128xf32, #tpu.memory_space<hbm>>, %arg6: memref<32x1x10000xf32, #tpu.memory_space<hbm>>, %arg7: memref<10000x128xf32, #tpu.memory_space<vmem_shared>>, %arg8: memref<8x80xi32, #tpu.memory_space<vmem>>, %arg9: memref<128x128xf32, #tpu.memory_space<vmem>>, %arg10: memref<128x128xf32, #tpu.memory_space<vmem>>, %arg11: memref<128xi32, #tpu.memory_space<vmem>>, %arg12: memref<128xi32, #tpu.memory_space<vmem>>, %arg13: memref<128xi32, #tpu.memory_space<vmem>>, %arg14: memref<128xi32, #tpu.memory_space<vmem>>, %arg15: memref<16xi32, #tpu.memory_space<vmem>>, %arg16: memref<16xi32, #tpu.memory_space<vmem>>, %arg17: memref<10000xf32, #tpu.memory_space<vmem>>, %arg18: memref<!tpu.dma_semaphore, #tpu.memory_space<semaphore_mem>>, %arg19: memref<!tpu.dma_semaphore, #tpu.memory_space<semaphore_mem>>, %arg20: memref<!tpu.dma_semaphore, #tpu.memory_space<semaphore_mem>>, %arg21: memref<!tpu.dma_semaphore, #tpu.memory_space<semaphore_mem>>) attributes {dimension_semantics = [#tpu.dimension_semantics<core_parallel>, #tpu.dimension_semantics<subcore_parallel>], iteration_bounds = array<i64: 2, 16>, scalar_prefetch = 0 : i64, scratch_operands = 15 : i64, tpu.core_type = #tpu.core_type<sc_vector_subcore>, window_params = [{transform_indices = #map}, {transform_indices = #map1}, {transform_indices = #map1}, {transform_indices = #map2}, {transform_indices = #map2}]} {
    %broadcast_in_dim3A = arith.constant 0.000000e+00 : f32
    %broadcast_in_dim3A_0 = vector.broadcast %broadcast_in_dim3A : f32 to vector<16xf32>
    %broadcast_in_dim3A_1 = arith.constant 1.000000e+00 : f32
    %broadcast_in_dim3A_2 = vector.broadcast %broadcast_in_dim3A_1 : f32 to vector<16xf32>
    %iota3A = tpu.iota {dimensions = array<i32: 0>} : vector<16xi32>
    %scan3A = arith.constant 0 : i32
    %scan3A_3 = arith.constant 0 : i32
    %scan3A_4 = arith.constant 80 : i32
    %scan3A_5 = arith.addi %scan3A_3, %scan3A_4 : i32
    %scan3A_6 = arith.constant 1 : i32
    scf.for %scan3A_949 = %scan3A_3 to %scan3A_5 step %scan3A_6  : i32 {
      %swap3A_950 = arith.index_cast %scan3A_949 : i32 to index
      %swap3A_951 = arith.constant 0 : index
      %swap3A_952 = tpu.vector_load %arg9[%swap3A_950, %swap3A_951] {strides = array<i32>} : memref<128x128xf32, #tpu.memory_space<vmem>>, vector<16xf32>,
      tpu.vector_store %arg9[%swap3A_950, %swap3A_951], %broadcast_in_dim3A_0 {strides = array<i32>} : memref<128x128xf32, #tpu.memory_space<vmem>>, vector<16xf32>,
      %swap3A_953 = arith.index_cast %scan3A_949 : i32 to index
      %swap3A_954 = arith.constant 16 : index
      %swap3A_955 = tpu.vector_load %arg9[%swap3A_953, %swap3A_954] {strides = array<i32>} : memref<128x128xf32, #tpu.memory_space<vmem>>, vector<16xf32>,
      tpu.vector_store %arg9[%swap3A_953, %swap3A_954], %broadcast_in_dim3A_0 {strides = array<i32>} : memref<128x128xf32, #tpu.memory_space<vmem>>, vector<16xf32>,
      %swap3A_956 = arith.index_cast %scan3A_949 : i32 to index
      %swap3A_957 = arith.constant 32 : index
      %swap3A_958 = tpu.vector_load %arg9[%swap3A_956, %swap3A_957] {strides = array<i32>} : memref<128x128xf32, #tpu.memory_space<vmem>>, vector<16xf32>,
      tpu.vector_store %arg9[%swap3A_956, %swap3A_957], %broadcast_in_dim3A_0 {strides = array<i32>} : memref<128x128xf32, #tpu.memory_space<vmem>>, vector<16xf32>,
      %swap3A_959 = arith.index_cast %scan3A_949 : i32 to index
      %swap3A_960 = arith.constant 48 : index
      %swap3A_961 = tpu.vector_load %arg9[%swap3A_959, %swap3A_960] {strides = array<i32>} : memref<128x128xf32, #tpu.memory_space<vmem>>, vector<16xf32>,
      tpu.vector_store %arg9[%swap3A_959, %swap3A_960], %broadcast_in_dim3A_0 {strides = array<i32>} : memref<128x128xf32, #tpu.memory_space<vmem>>, vector<16xf32>,
      %swap3A_962 = arith.index_cast %scan3A_949 : i32 to index
      %swap3A_963 = arith.constant 64 : index
      %swap3A_964 = tpu.vector_load %arg9[%swap3A_962, %swap3A_963] {strides = array<i32>} : memref<128x128xf32, #tpu.memory_space<vmem>>, vector<16xf32>,
      tpu.vector_store %arg9[%swap3A_962, %swap3A_963], %broadcast_in_dim3A_0 {strides = array<i32>} : memref<128x128xf32, #tpu.memory_space<vmem>>, vector<16xf32>,
      %swap3A_965 = arith.index_cast %scan3A_949 : i32 to index
      %swap3A_966 = arith.constant 80 : index
      %swap3A_967 = tpu.vector_load %arg9[%swap3A_965, %swap3A_966] {strides = array<i32>} : memref<128x128xf32, #tpu.memory_space<vmem>>, vector<16xf32>,
      tpu.vector_store %arg9[%swap3A_965, %swap3A_966], %broadcast_in_dim3A_0 {strides = array<i32>} : memref<128x128xf32, #tpu.memory_space<vmem>>, vector<16xf32>,
      %swap3A_968 = arith.index_cast %scan3A_949 : i32 to index
      %swap3A_969 = arith.constant 96 : index
      %swap3A_970 = tpu.vector_load %arg9[%swap3A_968, %swap3A_969] {strides = array<i32>} : memref<128x128xf32, #tpu.memory_space<vmem>>, vector<16xf32>,
      tpu.vector_store %arg9[%swap3A_968, %swap3A_969], %broadcast_in_dim3A_0 {strides = array<i32>} : memref<128x128xf32, #tpu.memory_space<vmem>>, vector<16xf32>,
      %swap3A_971 = arith.index_cast %scan3A_949 : i32 to index
      %swap3A_972 = arith.constant 112 : index
      %swap3A_973 = tpu.vector_load %arg9[%swap3A_971, %swap3A_972] {strides = array<i32>} : memref<128x128xf32, #tpu.memory_space<vmem>>, vector<16xf32>,
      tpu.vector_store %arg9[%swap3A_971, %swap3A_972], %broadcast_in_dim3A_0 {strides = array<i32>} : memref<128x128xf32, #tpu.memory_space<vmem>>, vector<16xf32>,
    }
    %scan3A_7 = arith.constant 80 : i32
    %add3A = arith.constant 0 : i32
    %add3A_8 = arith.addi %add3A, %arg1 : i32
    %mul3A = arith.constant 80 : i32
    %mul3A_9 = arith.muli %add3A_8, %mul3A : i32
    %add3A_10 = arith.constant 0 : i32
    %add3A_11 = arith.addi %mul3A_9, %add3A_10 : i32
    %add3A_12 = vector.broadcast %add3A_11 : i32 to vector<16xi32>
    %add3A_13 = arith.addi %add3A_12, %iota3A : vector<16xi32>
    %swap3A = arith.constant 0 : i32
    %swap3A_14 = arith.index_cast %swap3A : i32 to index
    %swap3A_15 = arith.constant 0 : index
    %swap3A_16 = tpu.vector_load %arg8[%swap3A_14, %swap3A_15] {strides = array<i32>} : memref<8x80xi32, #tpu.memory_space<vmem>>, vector<16xi32>,
    tpu.vector_store %arg8[%swap3A_14, %swap3A_15], %add3A_13 {strides = array<i32>} : memref<8x80xi32, #tpu.memory_space<vmem>>, vector<16xi32>,
    %add3A_17 = arith.constant 16 : i32
    %add3A_18 = arith.addi %mul3A_9, %add3A_17 : i32
    %add3A_19 = vector.broadcast %add3A_18 : i32 to vector<16xi32>
    %add3A_20 = arith.addi %add3A_19, %iota3A : vector<16xi32>
    %swap3A_21 = arith.constant 0 : i32
    %swap3A_22 = arith.index_cast %swap3A_21 : i32 to index
    %swap3A_23 = arith.constant 16 : index
    %swap3A_24 = tpu.vector_load %arg8[%swap3A_22, %swap3A_23] {strides = array<i32>} : memref<8x80xi32, #tpu.memory_space<vmem>>, vector<16xi32>,
    tpu.vector_store %arg8[%swap3A_22, %swap3A_23], %add3A_20 {strides = array<i32>} : memref<8x80xi32, #tpu.memory_space<vmem>>, vector<16xi32>,
    %add3A_25 = arith.constant 32 : i32
    %add3A_26 = arith.addi %mul3A_9, %add3A_25 : i32
    %add3A_27 = vector.broadcast %add3A_26 : i32 to vector<16xi32>
    %add3A_28 = arith.addi %add3A_27, %iota3A : vector<16xi32>
    %swap3A_29 = arith.constant 0 : i32
    %swap3A_30 = arith.index_cast %swap3A_29 : i32 to index
    %swap3A_31 = arith.constant 32 : index
    %swap3A_32 = tpu.vector_load %arg8[%swap3A_30, %swap3A_31] {strides = array<i32>} : memref<8x80xi32, #tpu.memory_space<vmem>>, vector<16xi32>,
    tpu.vector_store %arg8[%swap3A_30, %swap3A_31], %add3A_28 {strides = array<i32>} : memref<8x80xi32, #tpu.memory_space<vmem>>, vector<16xi32>,
    %add3A_33 = arith.constant 48 : i32
    %add3A_34 = arith.addi %mul3A_9, %add3A_33 : i32
    %add3A_35 = vector.broadcast %add3A_34 : i32 to vector<16xi32>
    %add3A_36 = arith.addi %add3A_35, %iota3A : vector<16xi32>
    %swap3A_37 = arith.constant 0 : i32
    %swap3A_38 = arith.index_cast %swap3A_37 : i32 to index
    %swap3A_39 = arith.constant 48 : index
    %swap3A_40 = tpu.vector_load %arg8[%swap3A_38, %swap3A_39] {strides = array<i32>} : memref<8x80xi32, #tpu.memory_space<vmem>>, vector<16xi32>,
    tpu.vector_store %arg8[%swap3A_38, %swap3A_39], %add3A_36 {strides = array<i32>} : memref<8x80xi32, #tpu.memory_space<vmem>>, vector<16xi32>,
    %add3A_41 = arith.constant 64 : i32
    %add3A_42 = arith.addi %mul3A_9, %add3A_41 : i32
    %add3A_43 = vector.broadcast %add3A_42 : i32 to vector<16xi32>
    %add3A_44 = arith.addi %add3A_43, %iota3A : vector<16xi32>
    %swap3A_45 = arith.constant 0 : i32
    %swap3A_46 = arith.index_cast %swap3A_45 : i32 to index
    %swap3A_47 = arith.constant 64 : index
    %swap3A_48 = tpu.vector_load %arg8[%swap3A_46, %swap3A_47] {strides = array<i32>} : memref<8x80xi32, #tpu.memory_space<vmem>>, vector<16xi32>,
    tpu.vector_store %arg8[%swap3A_46, %swap3A_47], %add3A_44 {strides = array<i32>} : memref<8x80xi32, #tpu.memory_space<vmem>>, vector<16xi32>,
    %add3A_49 = arith.constant 16 : i32
    %add3A_50 = arith.addi %add3A_49, %arg1 : i32
    %mul3A_51 = arith.constant 80 : i32
    %mul3A_52 = arith.muli %add3A_50, %mul3A_51 : i32
    %add3A_53 = arith.constant 0 : i32
    %add3A_54 = arith.addi %mul3A_52, %add3A_53 : i32
    %add3A_55 = vector.broadcast %add3A_54 : i32 to vector<16xi32>
    %add3A_56 = arith.addi %add3A_55, %iota3A : vector<16xi32>
    %swap3A_57 = arith.constant 1 : i32
    %swap3A_58 = arith.index_cast %swap3A_57 : i32 to index
    %swap3A_59 = arith.constant 0 : index
    %swap3A_60 = tpu.vector_load %arg8[%swap3A_58, %swap3A_59] {strides = array<i32>} : memref<8x80xi32, #tpu.memory_space<vmem>>, vector<16xi32>,
    tpu.vector_store %arg8[%swap3A_58, %swap3A_59], %add3A_56 {strides = array<i32>} : memref<8x80xi32, #tpu.memory_space<vmem>>, vector<16xi32>,
    %add3A_61 = arith.constant 16 : i32
    %add3A_62 = arith.addi %mul3A_52, %add3A_61 : i32
    %add3A_63 = vector.broadcast %add3A_62 : i32 to vector<16xi32>
    %add3A_64 = arith.addi %add3A_63, %iota3A : vector<16xi32>
    %swap3A_65 = arith.constant 1 : i32
    %swap3A_66 = arith.index_cast %swap3A_65 : i32 to index
    %swap3A_67 = arith.constant 16 : index
    %swap3A_68 = tpu.vector_load %arg8[%swap3A_66, %swap3A_67] {strides = array<i32>} : memref<8x80xi32, #tpu.memory_space<vmem>>, vector<16xi32>,
    tpu.vector_store %arg8[%swap3A_66, %swap3A_67], %add3A_64 {strides = array<i32>} : memref<8x80xi32, #tpu.memory_space<vmem>>, vector<16xi32>,
    %add3A_69 = arith.constant 32 : i32
    %add3A_70 = arith.addi %mul3A_52, %add3A_69 : i32
    %add3A_71 = vector.broadcast %add3A_70 : i32 to vector<16xi32>
    %add3A_72 = arith.addi %add3A_71, %iota3A : vector<16xi32>
    %swap3A_73 = arith.constant 1 : i32
    %swap3A_74 = arith.index_cast %swap3A_73 : i32 to index
    %swap3A_75 = arith.constant 32 : index
    %swap3A_76 = tpu.vector_load %arg8[%swap3A_74, %swap3A_75] {strides = array<i32>} : memref<8x80xi32, #tpu.memory_space<vmem>>, vector<16xi32>,
    tpu.vector_store %arg8[%swap3A_74, %swap3A_75], %add3A_72 {strides = array<i32>} : memref<8x80xi32, #tpu.memory_space<vmem>>, vector<16xi32>,
    %add3A_77 = arith.constant 48 : i32
    %add3A_78 = arith.addi %mul3A_52, %add3A_77 : i32
    %add3A_79 = vector.broadcast %add3A_78 : i32 to vector<16xi32>
    %add3A_80 = arith.addi %add3A_79, %iota3A : vector<16xi32>
    %swap3A_81 = arith.constant 1 : i32
    %swap3A_82 = arith.index_cast %swap3A_81 : i32 to index
    %swap3A_83 = arith.constant 48 : index
    %swap3A_84 = tpu.vector_load %arg8[%swap3A_82, %swap3A_83] {strides = array<i32>} : memref<8x80xi32, #tpu.memory_space<vmem>>, vector<16xi32>,
    tpu.vector_store %arg8[%swap3A_82, %swap3A_83], %add3A_80 {strides = array<i32>} : memref<8x80xi32, #tpu.memory_space<vmem>>, vector<16xi32>,
    %add3A_85 = arith.constant 64 : i32
    %add3A_86 = arith.addi %mul3A_52, %add3A_85 : i32
    %add3A_87 = vector.broadcast %add3A_86 : i32 to vector<16xi32>
    %add3A_88 = arith.addi %add3A_87, %iota3A : vector<16xi32>
    %swap3A_89 = arith.constant 1 : i32
    %swap3A_90 = arith.index_cast %swap3A_89 : i32 to index
    %swap3A_91 = arith.constant 64 : index
    %swap3A_92 = tpu.vector_load %arg8[%swap3A_90, %swap3A_91] {strides = array<i32>} : memref<8x80xi32, #tpu.memory_space<vmem>>, vector<16xi32>,
    tpu.vector_store %arg8[%swap3A_90, %swap3A_91], %add3A_88 {strides = array<i32>} : memref<8x80xi32, #tpu.memory_space<vmem>>, vector<16xi32>,
    %add3A_93 = arith.constant 32 : i32
    %add3A_94 = arith.addi %add3A_93, %arg1 : i32
    %mul3A_95 = arith.constant 80 : i32
    %mul3A_96 = arith.muli %add3A_94, %mul3A_95 : i32
    %add3A_97 = arith.constant 0 : i32
    %add3A_98 = arith.addi %mul3A_96, %add3A_97 : i32
    %add3A_99 = vector.broadcast %add3A_98 : i32 to vector<16xi32>
    %add3A_100 = arith.addi %add3A_99, %iota3A : vector<16xi32>
    %swap3A_101 = arith.constant 2 : i32
    %swap3A_102 = arith.index_cast %swap3A_101 : i32 to index
    %swap3A_103 = arith.constant 0 : index
    %swap3A_104 = tpu.vector_load %arg8[%swap3A_102, %swap3A_103] {strides = array<i32>} : memref<8x80xi32, #tpu.memory_space<vmem>>, vector<16xi32>,
    tpu.vector_store %arg8[%swap3A_102, %swap3A_103], %add3A_100 {strides = array<i32>} : memref<8x80xi32, #tpu.memory_space<vmem>>, vector<16xi32>,
    %add3A_105 = arith.constant 16 : i32
    %add3A_106 = arith.addi %mul3A_96, %add3A_105 : i32
    %add3A_107 = vector.broadcast %add3A_106 : i32 to vector<16xi32>
    %add3A_108 = arith.addi %add3A_107, %iota3A : vector<16xi32>
    %swap3A_109 = arith.constant 2 : i32
    %swap3A_110 = arith.index_cast %swap3A_109 : i32 to index
    %swap3A_111 = arith.constant 16 : index
    %swap3A_112 = tpu.vector_load %arg8[%swap3A_110, %swap3A_111] {strides = array<i32>} : memref<8x80xi32, #tpu.memory_space<vmem>>, vector<16xi32>,
    tpu.vector_store %arg8[%swap3A_110, %swap3A_111], %add3A_108 {strides = array<i32>} : memref<8x80xi32, #tpu.memory_space<vmem>>, vector<16xi32>,
    %add3A_113 = arith.constant 32 : i32
    %add3A_114 = arith.addi %mul3A_96, %add3A_113 : i32
    %add3A_115 = vector.broadcast %add3A_114 : i32 to vector<16xi32>
    %add3A_116 = arith.addi %add3A_115, %iota3A : vector<16xi32>
    %swap3A_117 = arith.constant 2 : i32
    %swap3A_118 = arith.index_cast %swap3A_117 : i32 to index
    %swap3A_119 = arith.constant 32 : index
    %swap3A_120 = tpu.vector_load %arg8[%swap3A_118, %swap3A_119] {strides = array<i32>} : memref<8x80xi32, #tpu.memory_space<vmem>>, vector<16xi32>,
    tpu.vector_store %arg8[%swap3A_118, %swap3A_119], %add3A_116 {strides = array<i32>} : memref<8x80xi32, #tpu.memory_space<vmem>>, vector<16xi32>,
    %add3A_121 = arith.constant 48 : i32
    %add3A_122 = arith.addi %mul3A_96, %add3A_121 : i32
    %add3A_123 = vector.broadcast %add3A_122 : i32 to vector<16xi32>
    %add3A_124 = arith.addi %add3A_123, %iota3A : vector<16xi32>
    %swap3A_125 = arith.constant 2 : i32
    %swap3A_126 = arith.index_cast %swap3A_125 : i32 to index
    %swap3A_127 = arith.constant 48 : index
    %swap3A_128 = tpu.vector_load %arg8[%swap3A_126, %swap3A_127] {strides = array<i32>} : memref<8x80xi32, #tpu.memory_space<vmem>>, vector<16xi32>,
    tpu.vector_store %arg8[%swap3A_126, %swap3A_127], %add3A_124 {strides = array<i32>} : memref<8x80xi32, #tpu.memory_space<vmem>>, vector<16xi32>,
    %add3A_129 = arith.constant 64 : i32
    %add3A_130 = arith.addi %mul3A_96, %add3A_129 : i32
    %add3A_131 = vector.broadcast %add3A_130 : i32 to vector<16xi32>
    %add3A_132 = arith.addi %add3A_131, %iota3A : vector<16xi32>
    %swap3A_133 = arith.constant 2 : i32
    %swap3A_134 = arith.index_cast %swap3A_133 : i32 to index
    %swap3A_135 = arith.constant 64 : index
    %swap3A_136 = tpu.vector_load %arg8[%swap3A_134, %swap3A_135] {strides = array<i32>} : memref<8x80xi32, #tpu.memory_space<vmem>>, vector<16xi32>,
    tpu.vector_store %arg8[%swap3A_134, %swap3A_135], %add3A_132 {strides = array<i32>} : memref<8x80xi32, #tpu.memory_space<vmem>>, vector<16xi32>,
    %add3A_137 = arith.constant 48 : i32
    %add3A_138 = arith.addi %add3A_137, %arg1 : i32
    %mul3A_139 = arith.constant 80 : i32
    %mul3A_140 = arith.muli %add3A_138, %mul3A_139 : i32
    %add3A_141 = arith.constant 0 : i32
    %add3A_142 = arith.addi %mul3A_140, %add3A_141 : i32
    %add3A_143 = vector.broadcast %add3A_142 : i32 to vector<16xi32>
    %add3A_144 = arith.addi %add3A_143, %iota3A : vector<16xi32>
    %swap3A_145 = arith.constant 3 : i32
    %swap3A_146 = arith.index_cast %swap3A_145 : i32 to index
    %swap3A_147 = arith.constant 0 : index
    %swap3A_148 = tpu.vector_load %arg8[%swap3A_146, %swap3A_147] {strides = array<i32>} : memref<8x80xi32, #tpu.memory_space<vmem>>, vector<16xi32>,
    tpu.vector_store %arg8[%swap3A_146, %swap3A_147], %add3A_144 {strides = array<i32>} : memref<8x80xi32, #tpu.memory_space<vmem>>, vector<16xi32>,
    %add3A_149 = arith.constant 16 : i32
    %add3A_150 = arith.addi %mul3A_140, %add3A_149 : i32
    %add3A_151 = vector.broadcast %add3A_150 : i32 to vector<16xi32>
    %add3A_152 = arith.addi %add3A_151, %iota3A : vector<16xi32>
    %swap3A_153 = arith.constant 3 : i32
    %swap3A_154 = arith.index_cast %swap3A_153 : i32 to index
    %swap3A_155 = arith.constant 16 : index
    %swap3A_156 = tpu.vector_load %arg8[%swap3A_154, %swap3A_155] {strides = array<i32>} : memref<8x80xi32, #tpu.memory_space<vmem>>, vector<16xi32>,
    tpu.vector_store %arg8[%swap3A_154, %swap3A_155], %add3A_152 {strides = array<i32>} : memref<8x80xi32, #tpu.memory_space<vmem>>, vector<16xi32>,
    %add3A_157 = arith.constant 32 : i32
    %add3A_158 = arith.addi %mul3A_140, %add3A_157 : i32
    %add3A_159 = vector.broadcast %add3A_158 : i32 to vector<16xi32>
    %add3A_160 = arith.addi %add3A_159, %iota3A : vector<16xi32>
    %swap3A_161 = arith.constant 3 : i32
    %swap3A_162 = arith.index_cast %swap3A_161 : i32 to index
    %swap3A_163 = arith.constant 32 : index
    %swap3A_164 = tpu.vector_load %arg8[%swap3A_162, %swap3A_163] {strides = array<i32>} : memref<8x80xi32, #tpu.memory_space<vmem>>, vector<16xi32>,
    tpu.vector_store %arg8[%swap3A_162, %swap3A_163], %add3A_160 {strides = array<i32>} : memref<8x80xi32, #tpu.memory_space<vmem>>, vector<16xi32>,
    %add3A_165 = arith.constant 48 : i32
    %add3A_166 = arith.addi %mul3A_140, %add3A_165 : i32
    %add3A_167 = vector.broadcast %add3A_166 : i32 to vector<16xi32>
    %add3A_168 = arith.addi %add3A_167, %iota3A : vector<16xi32>
    %swap3A_169 = arith.constant 3 : i32
    %swap3A_170 = arith.index_cast %swap3A_169 : i32 to index
    %swap3A_171 = arith.constant 48 : index
    %swap3A_172 = tpu.vector_load %arg8[%swap3A_170, %swap3A_171] {strides = array<i32>} : memref<8x80xi32, #tpu.memory_space<vmem>>, vector<16xi32>,
    tpu.vector_store %arg8[%swap3A_170, %swap3A_171], %add3A_168 {strides = array<i32>} : memref<8x80xi32, #tpu.memory_space<vmem>>, vector<16xi32>,
    %add3A_173 = arith.constant 64 : i32
    %add3A_174 = arith.addi %mul3A_140, %add3A_173 : i32
    %add3A_175 = vector.broadcast %add3A_174 : i32 to vector<16xi32>
    %add3A_176 = arith.addi %add3A_175, %iota3A : vector<16xi32>
    %swap3A_177 = arith.constant 3 : i32
    %swap3A_178 = arith.index_cast %swap3A_177 : i32 to index
    %swap3A_179 = arith.constant 64 : index
    %swap3A_180 = tpu.vector_load %arg8[%swap3A_178, %swap3A_179] {strides = array<i32>} : memref<8x80xi32, #tpu.memory_space<vmem>>, vector<16xi32>,
    tpu.vector_store %arg8[%swap3A_178, %swap3A_179], %add3A_176 {strides = array<i32>} : memref<8x80xi32, #tpu.memory_space<vmem>>, vector<16xi32>,
    %add3A_181 = arith.constant 64 : i32
    %add3A_182 = arith.addi %add3A_181, %arg1 : i32
    %mul3A_183 = arith.constant 80 : i32
    %mul3A_184 = arith.muli %add3A_182, %mul3A_183 : i32
    %add3A_185 = arith.constant 0 : i32
    %add3A_186 = arith.addi %mul3A_184, %add3A_185 : i32
    %add3A_187 = vector.broadcast %add3A_186 : i32 to vector<16xi32>
    %add3A_188 = arith.addi %add3A_187, %iota3A : vector<16xi32>
    %swap3A_189 = arith.constant 4 : i32
    %swap3A_190 = arith.index_cast %swap3A_189 : i32 to index
    %swap3A_191 = arith.constant 0 : index
    %swap3A_192 = tpu.vector_load %arg8[%swap3A_190, %swap3A_191] {strides = array<i32>} : memref<8x80xi32, #tpu.memory_space<vmem>>, vector<16xi32>,
    tpu.vector_store %arg8[%swap3A_190, %swap3A_191], %add3A_188 {strides = array<i32>} : memref<8x80xi32, #tpu.memory_space<vmem>>, vector<16xi32>,
    %add3A_193 = arith.constant 16 : i32
    %add3A_194 = arith.addi %mul3A_184, %add3A_193 : i32
    %add3A_195 = vector.broadcast %add3A_194 : i32 to vector<16xi32>
    %add3A_196 = arith.addi %add3A_195, %iota3A : vector<16xi32>
    %swap3A_197 = arith.constant 4 : i32
    %swap3A_198 = arith.index_cast %swap3A_197 : i32 to index
    %swap3A_199 = arith.constant 16 : index
    %swap3A_200 = tpu.vector_load %arg8[%swap3A_198, %swap3A_199] {strides = array<i32>} : memref<8x80xi32, #tpu.memory_space<vmem>>, vector<16xi32>,
    tpu.vector_store %arg8[%swap3A_198, %swap3A_199], %add3A_196 {strides = array<i32>} : memref<8x80xi32, #tpu.memory_space<vmem>>, vector<16xi32>,
    %add3A_201 = arith.constant 32 : i32
    %add3A_202 = arith.addi %mul3A_184, %add3A_201 : i32
    %add3A_203 = vector.broadcast %add3A_202 : i32 to vector<16xi32>
    %add3A_204 = arith.addi %add3A_203, %iota3A : vector<16xi32>
    %swap3A_205 = arith.constant 4 : i32
    %swap3A_206 = arith.index_cast %swap3A_205 : i32 to index
    %swap3A_207 = arith.constant 32 : index
    %swap3A_208 = tpu.vector_load %arg8[%swap3A_206, %swap3A_207] {strides = array<i32>} : memref<8x80xi32, #tpu.memory_space<vmem>>, vector<16xi32>,
    tpu.vector_store %arg8[%swap3A_206, %swap3A_207], %add3A_204 {strides = array<i32>} : memref<8x80xi32, #tpu.memory_space<vmem>>, vector<16xi32>,
    %add3A_209 = arith.constant 48 : i32
    %add3A_210 = arith.addi %mul3A_184, %add3A_209 : i32
    %add3A_211 = vector.broadcast %add3A_210 : i32 to vector<16xi32>
    %add3A_212 = arith.addi %add3A_211, %iota3A : vector<16xi32>
    %swap3A_213 = arith.constant 4 : i32
    %swap3A_214 = arith.index_cast %swap3A_213 : i32 to index
    %swap3A_215 = arith.constant 48 : index
    %swap3A_216 = tpu.vector_load %arg8[%swap3A_214, %swap3A_215] {strides = array<i32>} : memref<8x80xi32, #tpu.memory_space<vmem>>, vector<16xi32>,
    tpu.vector_store %arg8[%swap3A_214, %swap3A_215], %add3A_212 {strides = array<i32>} : memref<8x80xi32, #tpu.memory_space<vmem>>, vector<16xi32>,
    %add3A_217 = arith.constant 64 : i32
    %add3A_218 = arith.addi %mul3A_184, %add3A_217 : i32
    %add3A_219 = vector.broadcast %add3A_218 : i32 to vector<16xi32>
    %add3A_220 = arith.addi %add3A_219, %iota3A : vector<16xi32>
    %swap3A_221 = arith.constant 4 : i32
    %swap3A_222 = arith.index_cast %swap3A_221 : i32 to index
    %swap3A_223 = arith.constant 64 : index
    %swap3A_224 = tpu.vector_load %arg8[%swap3A_222, %swap3A_223] {strides = array<i32>} : memref<8x80xi32, #tpu.memory_space<vmem>>, vector<16xi32>,
    tpu.vector_store %arg8[%swap3A_222, %swap3A_223], %add3A_220 {strides = array<i32>} : memref<8x80xi32, #tpu.memory_space<vmem>>, vector<16xi32>,
    %add3A_225 = arith.constant 80 : i32
    %add3A_226 = arith.addi %add3A_225, %arg1 : i32
    %mul3A_227 = arith.constant 80 : i32
    %mul3A_228 = arith.muli %add3A_226, %mul3A_227 : i32
    %add3A_229 = arith.constant 0 : i32
    %add3A_230 = arith.addi %mul3A_228, %add3A_229 : i32
    %add3A_231 = vector.broadcast %add3A_230 : i32 to vector<16xi32>
    %add3A_232 = arith.addi %add3A_231, %iota3A : vector<16xi32>
    %swap3A_233 = arith.constant 5 : i32
    %swap3A_234 = arith.index_cast %swap3A_233 : i32 to index
    %swap3A_235 = arith.constant 0 : index
    %swap3A_236 = tpu.vector_load %arg8[%swap3A_234, %swap3A_235] {strides = array<i32>} : memref<8x80xi32, #tpu.memory_space<vmem>>, vector<16xi32>,
    tpu.vector_store %arg8[%swap3A_234, %swap3A_235], %add3A_232 {strides = array<i32>} : memref<8x80xi32, #tpu.memory_space<vmem>>, vector<16xi32>,
    %add3A_237 = arith.constant 16 : i32
    %add3A_238 = arith.addi %mul3A_228, %add3A_237 : i32
    %add3A_239 = vector.broadcast %add3A_238 : i32 to vector<16xi32>
    %add3A_240 = arith.addi %add3A_239, %iota3A : vector<16xi32>
    %swap3A_241 = arith.constant 5 : i32
    %swap3A_242 = arith.index_cast %swap3A_241 : i32 to index
    %swap3A_243 = arith.constant 16 : index
    %swap3A_244 = tpu.vector_load %arg8[%swap3A_242, %swap3A_243] {strides = array<i32>} : memref<8x80xi32, #tpu.memory_space<vmem>>, vector<16xi32>,
    tpu.vector_store %arg8[%swap3A_242, %swap3A_243], %add3A_240 {strides = array<i32>} : memref<8x80xi32, #tpu.memory_space<vmem>>, vector<16xi32>,
    %add3A_245 = arith.constant 32 : i32
    %add3A_246 = arith.addi %mul3A_228, %add3A_245 : i32
    %add3A_247 = vector.broadcast %add3A_246 : i32 to vector<16xi32>
    %add3A_248 = arith.addi %add3A_247, %iota3A : vector<16xi32>
    %swap3A_249 = arith.constant 5 : i32
    %swap3A_250 = arith.index_cast %swap3A_249 : i32 to index
    %swap3A_251 = arith.constant 32 : index
    %swap3A_252 = tpu.vector_load %arg8[%swap3A_250, %swap3A_251] {strides = array<i32>} : memref<8x80xi32, #tpu.memory_space<vmem>>, vector<16xi32>,
    tpu.vector_store %arg8[%swap3A_250, %swap3A_251], %add3A_248 {strides = array<i32>} : memref<8x80xi32, #tpu.memory_space<vmem>>, vector<16xi32>,
    %add3A_253 = arith.constant 48 : i32
    %add3A_254 = arith.addi %mul3A_228, %add3A_253 : i32
    %add3A_255 = vector.broadcast %add3A_254 : i32 to vector<16xi32>
    %add3A_256 = arith.addi %add3A_255, %iota3A : vector<16xi32>
    %swap3A_257 = arith.constant 5 : i32
    %swap3A_258 = arith.index_cast %swap3A_257 : i32 to index
    %swap3A_259 = arith.constant 48 : index
    %swap3A_260 = tpu.vector_load %arg8[%swap3A_258, %swap3A_259] {strides = array<i32>} : memref<8x80xi32, #tpu.memory_space<vmem>>, vector<16xi32>,
    tpu.vector_store %arg8[%swap3A_258, %swap3A_259], %add3A_256 {strides = array<i32>} : memref<8x80xi32, #tpu.memory_space<vmem>>, vector<16xi32>,
    %add3A_261 = arith.constant 64 : i32
    %add3A_262 = arith.addi %mul3A_228, %add3A_261 : i32
    %add3A_263 = vector.broadcast %add3A_262 : i32 to vector<16xi32>
    %add3A_264 = arith.addi %add3A_263, %iota3A : vector<16xi32>
    %swap3A_265 = arith.constant 5 : i32
    %swap3A_266 = arith.index_cast %swap3A_265 : i32 to index
    %swap3A_267 = arith.constant 64 : index
    %swap3A_268 = tpu.vector_load %arg8[%swap3A_266, %swap3A_267] {strides = array<i32>} : memref<8x80xi32, #tpu.memory_space<vmem>>, vector<16xi32>,
    tpu.vector_store %arg8[%swap3A_266, %swap3A_267], %add3A_264 {strides = array<i32>} : memref<8x80xi32, #tpu.memory_space<vmem>>, vector<16xi32>,
    %add3A_269 = arith.constant 96 : i32
    %add3A_270 = arith.addi %add3A_269, %arg1 : i32
    %mul3A_271 = arith.constant 80 : i32
    %mul3A_272 = arith.muli %add3A_270, %mul3A_271 : i32
    %add3A_273 = arith.constant 0 : i32
    %add3A_274 = arith.addi %mul3A_272, %add3A_273 : i32
    %add3A_275 = vector.broadcast %add3A_274 : i32 to vector<16xi32>
    %add3A_276 = arith.addi %add3A_275, %iota3A : vector<16xi32>
    %swap3A_277 = arith.constant 6 : i32
    %swap3A_278 = arith.index_cast %swap3A_277 : i32 to index
    %swap3A_279 = arith.constant 0 : index
    %swap3A_280 = tpu.vector_load %arg8[%swap3A_278, %swap3A_279] {strides = array<i32>} : memref<8x80xi32, #tpu.memory_space<vmem>>, vector<16xi32>,
    tpu.vector_store %arg8[%swap3A_278, %swap3A_279], %add3A_276 {strides = array<i32>} : memref<8x80xi32, #tpu.memory_space<vmem>>, vector<16xi32>,
    %add3A_281 = arith.constant 16 : i32
    %add3A_282 = arith.addi %mul3A_272, %add3A_281 : i32
    %add3A_283 = vector.broadcast %add3A_282 : i32 to vector<16xi32>
    %add3A_284 = arith.addi %add3A_283, %iota3A : vector<16xi32>
    %swap3A_285 = arith.constant 6 : i32
    %swap3A_286 = arith.index_cast %swap3A_285 : i32 to index
    %swap3A_287 = arith.constant 16 : index
    %swap3A_288 = tpu.vector_load %arg8[%swap3A_286, %swap3A_287] {strides = array<i32>} : memref<8x80xi32, #tpu.memory_space<vmem>>, vector<16xi32>,
    tpu.vector_store %arg8[%swap3A_286, %swap3A_287], %add3A_284 {strides = array<i32>} : memref<8x80xi32, #tpu.memory_space<vmem>>, vector<16xi32>,
    %add3A_289 = arith.constant 32 : i32
    %add3A_290 = arith.addi %mul3A_272, %add3A_289 : i32
    %add3A_291 = vector.broadcast %add3A_290 : i32 to vector<16xi32>
    %add3A_292 = arith.addi %add3A_291, %iota3A : vector<16xi32>
    %swap3A_293 = arith.constant 6 : i32
    %swap3A_294 = arith.index_cast %swap3A_293 : i32 to index
    %swap3A_295 = arith.constant 32 : index
    %swap3A_296 = tpu.vector_load %arg8[%swap3A_294, %swap3A_295] {strides = array<i32>} : memref<8x80xi32, #tpu.memory_space<vmem>>, vector<16xi32>,
    tpu.vector_store %arg8[%swap3A_294, %swap3A_295], %add3A_292 {strides = array<i32>} : memref<8x80xi32, #tpu.memory_space<vmem>>, vector<16xi32>,
    %add3A_297 = arith.constant 48 : i32
    %add3A_298 = arith.addi %mul3A_272, %add3A_297 : i32
    %add3A_299 = vector.broadcast %add3A_298 : i32 to vector<16xi32>
    %add3A_300 = arith.addi %add3A_299, %iota3A : vector<16xi32>
    %swap3A_301 = arith.constant 6 : i32
    %swap3A_302 = arith.index_cast %swap3A_301 : i32 to index
    %swap3A_303 = arith.constant 48 : index
    %swap3A_304 = tpu.vector_load %arg8[%swap3A_302, %swap3A_303] {strides = array<i32>} : memref<8x80xi32, #tpu.memory_space<vmem>>, vector<16xi32>,
    tpu.vector_store %arg8[%swap3A_302, %swap3A_303], %add3A_300 {strides = array<i32>} : memref<8x80xi32, #tpu.memory_space<vmem>>, vector<16xi32>,
    %add3A_305 = arith.constant 64 : i32
    %add3A_306 = arith.addi %mul3A_272, %add3A_305 : i32
    %add3A_307 = vector.broadcast %add3A_306 : i32 to vector<16xi32>
    %add3A_308 = arith.addi %add3A_307, %iota3A : vector<16xi32>
    %swap3A_309 = arith.constant 6 : i32
    %swap3A_310 = arith.index_cast %swap3A_309 : i32 to index
    %swap3A_311 = arith.constant 64 : index
    %swap3A_312 = tpu.vector_load %arg8[%swap3A_310, %swap3A_311] {strides = array<i32>} : memref<8x80xi32, #tpu.memory_space<vmem>>, vector<16xi32>,
    tpu.vector_store %arg8[%swap3A_310, %swap3A_311], %add3A_308 {strides = array<i32>} : memref<8x80xi32, #tpu.memory_space<vmem>>, vector<16xi32>,
    %add3A_313 = arith.constant 112 : i32
    %add3A_314 = arith.addi %add3A_313, %arg1 : i32
    %mul3A_315 = arith.constant 80 : i32
    %mul3A_316 = arith.muli %add3A_314, %mul3A_315 : i32
    %add3A_317 = arith.constant 0 : i32
    %add3A_318 = arith.addi %mul3A_316, %add3A_317 : i32
    %add3A_319 = vector.broadcast %add3A_318 : i32 to vector<16xi32>
    %add3A_320 = arith.addi %add3A_319, %iota3A : vector<16xi32>
    %swap3A_321 = arith.constant 7 : i32
    %swap3A_322 = arith.index_cast %swap3A_321 : i32 to index
    %swap3A_323 = arith.constant 0 : index
    %swap3A_324 = tpu.vector_load %arg8[%swap3A_322, %swap3A_323] {strides = array<i32>} : memref<8x80xi32, #tpu.memory_space<vmem>>, vector<16xi32>,
    tpu.vector_store %arg8[%swap3A_322, %swap3A_323], %add3A_320 {strides = array<i32>} : memref<8x80xi32, #tpu.memory_space<vmem>>, vector<16xi32>,
    %add3A_325 = arith.constant 16 : i32
    %add3A_326 = arith.addi %mul3A_316, %add3A_325 : i32
    %add3A_327 = vector.broadcast %add3A_326 : i32 to vector<16xi32>
    %add3A_328 = arith.addi %add3A_327, %iota3A : vector<16xi32>
    %swap3A_329 = arith.constant 7 : i32
    %swap3A_330 = arith.index_cast %swap3A_329 : i32 to index
    %swap3A_331 = arith.constant 16 : index
    %swap3A_332 = tpu.vector_load %arg8[%swap3A_330, %swap3A_331] {strides = array<i32>} : memref<8x80xi32, #tpu.memory_space<vmem>>, vector<16xi32>,
    tpu.vector_store %arg8[%swap3A_330, %swap3A_331], %add3A_328 {strides = array<i32>} : memref<8x80xi32, #tpu.memory_space<vmem>>, vector<16xi32>,
    %add3A_333 = arith.constant 32 : i32
    %add3A_334 = arith.addi %mul3A_316, %add3A_333 : i32
    %add3A_335 = vector.broadcast %add3A_334 : i32 to vector<16xi32>
    %add3A_336 = arith.addi %add3A_335, %iota3A : vector<16xi32>
    %swap3A_337 = arith.constant 7 : i32
    %swap3A_338 = arith.index_cast %swap3A_337 : i32 to index
    %swap3A_339 = arith.constant 32 : index
    %swap3A_340 = tpu.vector_load %arg8[%swap3A_338, %swap3A_339] {strides = array<i32>} : memref<8x80xi32, #tpu.memory_space<vmem>>, vector<16xi32>,
    tpu.vector_store %arg8[%swap3A_338, %swap3A_339], %add3A_336 {strides = array<i32>} : memref<8x80xi32, #tpu.memory_space<vmem>>, vector<16xi32>,
    %add3A_341 = arith.constant 48 : i32
    %add3A_342 = arith.addi %mul3A_316, %add3A_341 : i32
    %add3A_343 = vector.broadcast %add3A_342 : i32 to vector<16xi32>
    %add3A_344 = arith.addi %add3A_343, %iota3A : vector<16xi32>
    %swap3A_345 = arith.constant 7 : i32
    %swap3A_346 = arith.index_cast %swap3A_345 : i32 to index
    %swap3A_347 = arith.constant 48 : index
    %swap3A_348 = tpu.vector_load %arg8[%swap3A_346, %swap3A_347] {strides = array<i32>} : memref<8x80xi32, #tpu.memory_space<vmem>>, vector<16xi32>,
    tpu.vector_store %arg8[%swap3A_346, %swap3A_347], %add3A_344 {strides = array<i32>} : memref<8x80xi32, #tpu.memory_space<vmem>>, vector<16xi32>,
    %add3A_349 = arith.constant 64 : i32
    %add3A_350 = arith.addi %mul3A_316, %add3A_349 : i32
    %add3A_351 = vector.broadcast %add3A_350 : i32 to vector<16xi32>
    %add3A_352 = arith.addi %add3A_351, %iota3A : vector<16xi32>
    %swap3A_353 = arith.constant 7 : i32
    %swap3A_354 = arith.index_cast %swap3A_353 : i32 to index
    %swap3A_355 = arith.constant 64 : index
    %swap3A_356 = tpu.vector_load %arg8[%swap3A_354, %swap3A_355] {strides = array<i32>} : memref<8x80xi32, #tpu.memory_space<vmem>>, vector<16xi32>,
    tpu.vector_store %arg8[%swap3A_354, %swap3A_355], %add3A_352 {strides = array<i32>} : memref<8x80xi32, #tpu.memory_space<vmem>>, vector<16xi32>,
    %dma_start3A = arith.constant 0 : i32
    %dma_start3A_357 = arith.constant 0 : i32
    %dma_start3A_358 = arith.constant 0 : i32
    %dma_start3A_359 = tpu.memref_slice %arg9[%dma_start3A_357, %dma_start3A_358] : memref<128x128xf32, #tpu.memory_space<vmem>> -> memref<80x128xf32, #tpu.memory_space<vmem>>
    %dma_start3A_360 = arith.constant 0 : i32
    %dma_start3A_361 = tpu.memref_slice %arg8[%dma_start3A, %dma_start3A_360] : memref<8x80xi32, #tpu.memory_space<vmem>> -> memref<1x80xi32, #tpu.memory_space<vmem>>
    %dma_start3A_362 = tpu.memref_squeeze %dma_start3A_361 : memref<1x80xi32, #tpu.memory_space<vmem>> -> memref<80xi32, #tpu.memory_space<vmem>>
    %dma_start3A_363 = arith.constant 0 : i32
    %dma_start3A_364 = arith.constant 0 : i32
    %dma_start3A_365 = tpu.memref_slice %arg7[%dma_start3A_363, %dma_start3A_364] : memref<10000x128xf32, #tpu.memory_space<vmem_shared>> -> memref<10000x128xf32, #tpu.memory_space<vmem_shared>>
    tpu.enqueue_indirect_dma source(%dma_start3A_359 : memref<80x128xf32, #tpu.memory_space<vmem>>) target(%dma_start3A_365 : memref<10000x128xf32, #tpu.memory_space<vmem_shared>>) offsets(%dma_start3A_362 : memref<80xi32, #tpu.memory_space<vmem>>) semaphore(%arg20 : memref<!tpu.dma_semaphore, #tpu.memory_space<semaphore_mem>>)
    %dma_start3A_366 = arith.constant 1 : i32
    %dma_start3A_367 = arith.constant 0 : i32
    %dma_start3A_368 = arith.constant 0 : i32
    %dma_start3A_369 = tpu.memref_slice %arg9[%dma_start3A_367, %dma_start3A_368] : memref<128x128xf32, #tpu.memory_space<vmem>> -> memref<80x128xf32, #tpu.memory_space<vmem>>
    %dma_start3A_370 = arith.constant 0 : i32
    %dma_start3A_371 = tpu.memref_slice %arg8[%dma_start3A_366, %dma_start3A_370] : memref<8x80xi32, #tpu.memory_space<vmem>> -> memref<1x80xi32, #tpu.memory_space<vmem>>
    %dma_start3A_372 = tpu.memref_squeeze %dma_start3A_371 : memref<1x80xi32, #tpu.memory_space<vmem>> -> memref<80xi32, #tpu.memory_space<vmem>>
    %dma_start3A_373 = arith.constant 0 : i32
    %dma_start3A_374 = arith.constant 0 : i32
    %dma_start3A_375 = tpu.memref_slice %arg7[%dma_start3A_373, %dma_start3A_374] : memref<10000x128xf32, #tpu.memory_space<vmem_shared>> -> memref<10000x128xf32, #tpu.memory_space<vmem_shared>>
    tpu.enqueue_indirect_dma source(%dma_start3A_369 : memref<80x128xf32, #tpu.memory_space<vmem>>) target(%dma_start3A_375 : memref<10000x128xf32, #tpu.memory_space<vmem_shared>>) offsets(%dma_start3A_372 : memref<80xi32, #tpu.memory_space<vmem>>) semaphore(%arg20 : memref<!tpu.dma_semaphore, #tpu.memory_space<semaphore_mem>>)
    %dma_start3A_376 = arith.constant 2 : i32
    %dma_start3A_377 = arith.constant 0 : i32
    %dma_start3A_378 = arith.constant 0 : i32
    %dma_start3A_379 = tpu.memref_slice %arg9[%dma_start3A_377, %dma_start3A_378] : memref<128x128xf32, #tpu.memory_space<vmem>> -> memref<80x128xf32, #tpu.memory_space<vmem>>
    %dma_start3A_380 = arith.constant 0 : i32
    %dma_start3A_381 = tpu.memref_slice %arg8[%dma_start3A_376, %dma_start3A_380] : memref<8x80xi32, #tpu.memory_space<vmem>> -> memref<1x80xi32, #tpu.memory_space<vmem>>
    %dma_start3A_382 = tpu.memref_squeeze %dma_start3A_381 : memref<1x80xi32, #tpu.memory_space<vmem>> -> memref<80xi32, #tpu.memory_space<vmem>>
    %dma_start3A_383 = arith.constant 0 : i32
    %dma_start3A_384 = arith.constant 0 : i32
    %dma_start3A_385 = tpu.memref_slice %arg7[%dma_start3A_383, %dma_start3A_384] : memref<10000x128xf32, #tpu.memory_space<vmem_shared>> -> memref<10000x128xf32, #tpu.memory_space<vmem_shared>>
    tpu.enqueue_indirect_dma source(%dma_start3A_379 : memref<80x128xf32, #tpu.memory_space<vmem>>) target(%dma_start3A_385 : memref<10000x128xf32, #tpu.memory_space<vmem_shared>>) offsets(%dma_start3A_382 : memref<80xi32, #tpu.memory_space<vmem>>) semaphore(%arg20 : memref<!tpu.dma_semaphore, #tpu.memory_space<semaphore_mem>>)
    %dma_start3A_386 = arith.constant 3 : i32
    %dma_start3A_387 = arith.constant 0 : i32
    %dma_start3A_388 = arith.constant 0 : i32
    %dma_start3A_389 = tpu.memref_slice %arg9[%dma_start3A_387, %dma_start3A_388] : memref<128x128xf32, #tpu.memory_space<vmem>> -> memref<80x128xf32, #tpu.memory_space<vmem>>
    %dma_start3A_390 = arith.constant 0 : i32
    %dma_start3A_391 = tpu.memref_slice %arg8[%dma_start3A_386, %dma_start3A_390] : memref<8x80xi32, #tpu.memory_space<vmem>> -> memref<1x80xi32, #tpu.memory_space<vmem>>
    %dma_start3A_392 = tpu.memref_squeeze %dma_start3A_391 : memref<1x80xi32, #tpu.memory_space<vmem>> -> memref<80xi32, #tpu.memory_space<vmem>>
    %dma_start3A_393 = arith.constant 0 : i32
    %dma_start3A_394 = arith.constant 0 : i32
    %dma_start3A_395 = tpu.memref_slice %arg7[%dma_start3A_393, %dma_start3A_394] : memref<10000x128xf32, #tpu.memory_space<vmem_shared>> -> memref<10000x128xf32, #tpu.memory_space<vmem_shared>>
    tpu.enqueue_indirect_dma source(%dma_start3A_389 : memref<80x128xf32, #tpu.memory_space<vmem>>) target(%dma_start3A_395 : memref<10000x128xf32, #tpu.memory_space<vmem_shared>>) offsets(%dma_start3A_392 : memref<80xi32, #tpu.memory_space<vmem>>) semaphore(%arg20 : memref<!tpu.dma_semaphore, #tpu.memory_space<semaphore_mem>>)
    %dma_start3A_396 = arith.constant 4 : i32
    %dma_start3A_397 = arith.constant 0 : i32
    %dma_start3A_398 = arith.constant 0 : i32
    %dma_start3A_399 = tpu.memref_slice %arg9[%dma_start3A_397, %dma_start3A_398] : memref<128x128xf32, #tpu.memory_space<vmem>> -> memref<80x128xf32, #tpu.memory_space<vmem>>
    %dma_start3A_400 = arith.constant 0 : i32
    %dma_start3A_401 = tpu.memref_slice %arg8[%dma_start3A_396, %dma_start3A_400] : memref<8x80xi32, #tpu.memory_space<vmem>> -> memref<1x80xi32, #tpu.memory_space<vmem>>
    %dma_start3A_402 = tpu.memref_squeeze %dma_start3A_401 : memref<1x80xi32, #tpu.memory_space<vmem>> -> memref<80xi32, #tpu.memory_space<vmem>>
    %dma_start3A_403 = arith.constant 0 : i32
    %dma_start3A_404 = arith.constant 0 : i32
    %dma_start3A_405 = tpu.memref_slice %arg7[%dma_start3A_403, %dma_start3A_404] : memref<10000x128xf32, #tpu.memory_space<vmem_shared>> -> memref<10000x128xf32, #tpu.memory_space<vmem_shared>>
    tpu.enqueue_indirect_dma source(%dma_start3A_399 : memref<80x128xf32, #tpu.memory_space<vmem>>) target(%dma_start3A_405 : memref<10000x128xf32, #tpu.memory_space<vmem_shared>>) offsets(%dma_start3A_402 : memref<80xi32, #tpu.memory_space<vmem>>) semaphore(%arg20 : memref<!tpu.dma_semaphore, #tpu.memory_space<semaphore_mem>>)
    %dma_start3A_406 = arith.constant 5 : i32
    %dma_start3A_407 = arith.constant 0 : i32
    %dma_start3A_408 = arith.constant 0 : i32
    %dma_start3A_409 = tpu.memref_slice %arg9[%dma_start3A_407, %dma_start3A_408] : memref<128x128xf32, #tpu.memory_space<vmem>> -> memref<80x128xf32, #tpu.memory_space<vmem>>
    %dma_start3A_410 = arith.constant 0 : i32
    %dma_start3A_411 = tpu.memref_slice %arg8[%dma_start3A_406, %dma_start3A_410] : memref<8x80xi32, #tpu.memory_space<vmem>> -> memref<1x80xi32, #tpu.memory_space<vmem>>
    %dma_start3A_412 = tpu.memref_squeeze %dma_start3A_411 : memref<1x80xi32, #tpu.memory_space<vmem>> -> memref<80xi32, #tpu.memory_space<vmem>>
    %dma_start3A_413 = arith.constant 0 : i32
    %dma_start3A_414 = arith.constant 0 : i32
    %dma_start3A_415 = tpu.memref_slice %arg7[%dma_start3A_413, %dma_start3A_414] : memref<10000x128xf32, #tpu.memory_space<vmem_shared>> -> memref<10000x128xf32, #tpu.memory_space<vmem_shared>>
    tpu.enqueue_indirect_dma source(%dma_start3A_409 : memref<80x128xf32, #tpu.memory_space<vmem>>) target(%dma_start3A_415 : memref<10000x128xf32, #tpu.memory_space<vmem_shared>>) offsets(%dma_start3A_412 : memref<80xi32, #tpu.memory_space<vmem>>) semaphore(%arg20 : memref<!tpu.dma_semaphore, #tpu.memory_space<semaphore_mem>>)
    %dma_start3A_416 = arith.constant 6 : i32
    %dma_start3A_417 = arith.constant 0 : i32
    %dma_start3A_418 = arith.constant 0 : i32
    %dma_start3A_419 = tpu.memref_slice %arg9[%dma_start3A_417, %dma_start3A_418] : memref<128x128xf32, #tpu.memory_space<vmem>> -> memref<80x128xf32, #tpu.memory_space<vmem>>
    %dma_start3A_420 = arith.constant 0 : i32
    %dma_start3A_421 = tpu.memref_slice %arg8[%dma_start3A_416, %dma_start3A_420] : memref<8x80xi32, #tpu.memory_space<vmem>> -> memref<1x80xi32, #tpu.memory_space<vmem>>
    %dma_start3A_422 = tpu.memref_squeeze %dma_start3A_421 : memref<1x80xi32, #tpu.memory_space<vmem>> -> memref<80xi32, #tpu.memory_space<vmem>>
    %dma_start3A_423 = arith.constant 0 : i32
    %dma_start3A_424 = arith.constant 0 : i32
    %dma_start3A_425 = tpu.memref_slice %arg7[%dma_start3A_423, %dma_start3A_424] : memref<10000x128xf32, #tpu.memory_space<vmem_shared>> -> memref<10000x128xf32, #tpu.memory_space<vmem_shared>>
    tpu.enqueue_indirect_dma source(%dma_start3A_419 : memref<80x128xf32, #tpu.memory_space<vmem>>) target(%dma_start3A_425 : memref<10000x128xf32, #tpu.memory_space<vmem_shared>>) offsets(%dma_start3A_422 : memref<80xi32, #tpu.memory_space<vmem>>) semaphore(%arg20 : memref<!tpu.dma_semaphore, #tpu.memory_space<semaphore_mem>>)
    %add3A_426 = arith.constant 112 : i32
    %add3A_427 = arith.addi %add3A_426, %arg1 : i32
    %lt3A = arith.constant 125 : i32
    %lt3A_428 = arith.cmpi slt, %add3A_427, %lt3A : i32
    %convert_element_type3A = arith.extui %lt3A_428 : i1 to i32
    %cond3A = arith.constant 0 : i32
    %cond3A_429 = arith.cmpi ne, %convert_element_type3A, %cond3A : i32
    scf.if %cond3A_429 {
      %dma_start3A_949 = arith.constant 7 : i32
      %dma_start3A_950 = arith.constant 0 : i32
      %dma_start3A_951 = arith.constant 0 : i32
      %dma_start3A_952 = tpu.memref_slice %arg9[%dma_start3A_950, %dma_start3A_951] : memref<128x128xf32, #tpu.memory_space<vmem>> -> memref<80x128xf32, #tpu.memory_space<vmem>>
      %dma_start3A_953 = arith.constant 0 : i32
      %dma_start3A_954 = tpu.memref_slice %arg8[%dma_start3A_949, %dma_start3A_953] : memref<8x80xi32, #tpu.memory_space<vmem>> -> memref<1x80xi32, #tpu.memory_space<vmem>>
      %dma_start3A_955 = tpu.memref_squeeze %dma_start3A_954 : memref<1x80xi32, #tpu.memory_space<vmem>> -> memref<80xi32, #tpu.memory_space<vmem>>
      %dma_start3A_956 = arith.constant 0 : i32
      %dma_start3A_957 = arith.constant 0 : i32
      %dma_start3A_958 = tpu.memref_slice %arg7[%dma_start3A_956, %dma_start3A_957] : memref<10000x128xf32, #tpu.memory_space<vmem_shared>> -> memref<10000x128xf32, #tpu.memory_space<vmem_shared>>
      tpu.enqueue_indirect_dma source(%dma_start3A_952 : memref<80x128xf32, #tpu.memory_space<vmem>>) target(%dma_start3A_958 : memref<10000x128xf32, #tpu.memory_space<vmem_shared>>) offsets(%dma_start3A_955 : memref<80xi32, #tpu.memory_space<vmem>>) semaphore(%arg20 : memref<!tpu.dma_semaphore, #tpu.memory_space<semaphore_mem>>)
    } else {
    }
    %scan3A_430 = arith.constant 0 : i32
    %scan3A_431 = arith.constant 0 : i32
    %scan3A_432 = arith.constant 625 : i32
    %scan3A_433 = arith.addi %scan3A_431, %scan3A_432 : i32
    %scan3A_434 = arith.constant 1 : i32
    scf.for %scan3A_949 = %scan3A_431 to %scan3A_433 step %scan3A_434  : i32 {
      %mul3A_950 = arith.constant 16 : i32
      %mul3A_951 = arith.muli %scan3A_949, %mul3A_950 : i32
      %swap3A_952 = arith.index_cast %mul3A_951 : i32 to index
      %swap3A_953 = tpu.vector_load %arg17[%swap3A_952] {strides = array<i32>} : memref<10000xf32, #tpu.memory_space<vmem>>, vector<16xf32>,
      tpu.vector_store %arg17[%swap3A_952], %broadcast_in_dim3A_0 {strides = array<i32>} : memref<10000xf32, #tpu.memory_space<vmem>>, vector<16xf32>,
    }
    %scan3A_435 = arith.constant 625 : i32
    %dma_wait3A = arith.constant 0 : i32
    %dma_wait3A_436 = arith.constant 0 : i32
    %dma_wait3A_437 = arith.constant 0 : i32
    %dma_wait3A_438 = tpu.memref_slice %arg9[%dma_wait3A_436, %dma_wait3A_437] : memref<128x128xf32, #tpu.memory_space<vmem>> -> memref<80x128xf32, #tpu.memory_space<vmem>>
    %dma_wait3A_439 = arith.constant 0 : i32
    %dma_wait3A_440 = tpu.memref_slice %arg8[%dma_wait3A, %dma_wait3A_439] : memref<8x80xi32, #tpu.memory_space<vmem>> -> memref<1x80xi32, #tpu.memory_space<vmem>>
    %dma_wait3A_441 = tpu.memref_squeeze %dma_wait3A_440 : memref<1x80xi32, #tpu.memory_space<vmem>> -> memref<80xi32, #tpu.memory_space<vmem>>
    %dma_wait3A_442 = arith.constant 0 : i32
    %dma_wait3A_443 = arith.constant 0 : i32
    %dma_wait3A_444 = tpu.memref_slice %arg7[%dma_wait3A_442, %dma_wait3A_443] : memref<10000x128xf32, #tpu.memory_space<vmem_shared>> -> memref<10000x128xf32, #tpu.memory_space<vmem_shared>>
    tpu.wait_indirect_dma semaphore(%arg20 : memref<!tpu.dma_semaphore, #tpu.memory_space<semaphore_mem>>) src(%dma_wait3A_438 : memref<80x128xf32, #tpu.memory_space<vmem>>) dst(%dma_wait3A_444 : memref<10000x128xf32, #tpu.memory_space<vmem_shared>>)
    %dma_wait3A_445 = arith.constant 1 : i32
    %dma_wait3A_446 = arith.constant 0 : i32
    %dma_wait3A_447 = arith.constant 0 : i32
    %dma_wait3A_448 = tpu.memref_slice %arg9[%dma_wait3A_446, %dma_wait3A_447] : memref<128x128xf32, #tpu.memory_space<vmem>> -> memref<80x128xf32, #tpu.memory_space<vmem>>
    %dma_wait3A_449 = arith.constant 0 : i32
    %dma_wait3A_450 = tpu.memref_slice %arg8[%dma_wait3A_445, %dma_wait3A_449] : memref<8x80xi32, #tpu.memory_space<vmem>> -> memref<1x80xi32, #tpu.memory_space<vmem>>
    %dma_wait3A_451 = tpu.memref_squeeze %dma_wait3A_450 : memref<1x80xi32, #tpu.memory_space<vmem>> -> memref<80xi32, #tpu.memory_space<vmem>>
    %dma_wait3A_452 = arith.constant 0 : i32
    %dma_wait3A_453 = arith.constant 0 : i32
    %dma_wait3A_454 = tpu.memref_slice %arg7[%dma_wait3A_452, %dma_wait3A_453] : memref<10000x128xf32, #tpu.memory_space<vmem_shared>> -> memref<10000x128xf32, #tpu.memory_space<vmem_shared>>
    tpu.wait_indirect_dma semaphore(%arg20 : memref<!tpu.dma_semaphore, #tpu.memory_space<semaphore_mem>>) src(%dma_wait3A_448 : memref<80x128xf32, #tpu.memory_space<vmem>>) dst(%dma_wait3A_454 : memref<10000x128xf32, #tpu.memory_space<vmem_shared>>)
    %dma_wait3A_455 = arith.constant 2 : i32
    %dma_wait3A_456 = arith.constant 0 : i32
    %dma_wait3A_457 = arith.constant 0 : i32
    %dma_wait3A_458 = tpu.memref_slice %arg9[%dma_wait3A_456, %dma_wait3A_457] : memref<128x128xf32, #tpu.memory_space<vmem>> -> memref<80x128xf32, #tpu.memory_space<vmem>>
    %dma_wait3A_459 = arith.constant 0 : i32
    %dma_wait3A_460 = tpu.memref_slice %arg8[%dma_wait3A_455, %dma_wait3A_459] : memref<8x80xi32, #tpu.memory_space<vmem>> -> memref<1x80xi32, #tpu.memory_space<vmem>>
    %dma_wait3A_461 = tpu.memref_squeeze %dma_wait3A_460 : memref<1x80xi32, #tpu.memory_space<vmem>> -> memref<80xi32, #tpu.memory_space<vmem>>
    %dma_wait3A_462 = arith.constant 0 : i32
    %dma_wait3A_463 = arith.constant 0 : i32
    %dma_wait3A_464 = tpu.memref_slice %arg7[%dma_wait3A_462, %dma_wait3A_463] : memref<10000x128xf32, #tpu.memory_space<vmem_shared>> -> memref<10000x128xf32, #tpu.memory_space<vmem_shared>>
    tpu.wait_indirect_dma semaphore(%arg20 : memref<!tpu.dma_semaphore, #tpu.memory_space<semaphore_mem>>) src(%dma_wait3A_458 : memref<80x128xf32, #tpu.memory_space<vmem>>) dst(%dma_wait3A_464 : memref<10000x128xf32, #tpu.memory_space<vmem_shared>>)
    %dma_wait3A_465 = arith.constant 3 : i32
    %dma_wait3A_466 = arith.constant 0 : i32
    %dma_wait3A_467 = arith.constant 0 : i32
    %dma_wait3A_468 = tpu.memref_slice %arg9[%dma_wait3A_466, %dma_wait3A_467] : memref<128x128xf32, #tpu.memory_space<vmem>> -> memref<80x128xf32, #tpu.memory_space<vmem>>
    %dma_wait3A_469 = arith.constant 0 : i32
    %dma_wait3A_470 = tpu.memref_slice %arg8[%dma_wait3A_465, %dma_wait3A_469] : memref<8x80xi32, #tpu.memory_space<vmem>> -> memref<1x80xi32, #tpu.memory_space<vmem>>
    %dma_wait3A_471 = tpu.memref_squeeze %dma_wait3A_470 : memref<1x80xi32, #tpu.memory_space<vmem>> -> memref<80xi32, #tpu.memory_space<vmem>>
    %dma_wait3A_472 = arith.constant 0 : i32
    %dma_wait3A_473 = arith.constant 0 : i32
    %dma_wait3A_474 = tpu.memref_slice %arg7[%dma_wait3A_472, %dma_wait3A_473] : memref<10000x128xf32, #tpu.memory_space<vmem_shared>> -> memref<10000x128xf32, #tpu.memory_space<vmem_shared>>
    tpu.wait_indirect_dma semaphore(%arg20 : memref<!tpu.dma_semaphore, #tpu.memory_space<semaphore_mem>>) src(%dma_wait3A_468 : memref<80x128xf32, #tpu.memory_space<vmem>>) dst(%dma_wait3A_474 : memref<10000x128xf32, #tpu.memory_space<vmem_shared>>)
    %dma_wait3A_475 = arith.constant 4 : i32
    %dma_wait3A_476 = arith.constant 0 : i32
    %dma_wait3A_477 = arith.constant 0 : i32
    %dma_wait3A_478 = tpu.memref_slice %arg9[%dma_wait3A_476, %dma_wait3A_477] : memref<128x128xf32, #tpu.memory_space<vmem>> -> memref<80x128xf32, #tpu.memory_space<vmem>>
    %dma_wait3A_479 = arith.constant 0 : i32
    %dma_wait3A_480 = tpu.memref_slice %arg8[%dma_wait3A_475, %dma_wait3A_479] : memref<8x80xi32, #tpu.memory_space<vmem>> -> memref<1x80xi32, #tpu.memory_space<vmem>>
    %dma_wait3A_481 = tpu.memref_squeeze %dma_wait3A_480 : memref<1x80xi32, #tpu.memory_space<vmem>> -> memref<80xi32, #tpu.memory_space<vmem>>
    %dma_wait3A_482 = arith.constant 0 : i32
    %dma_wait3A_483 = arith.constant 0 : i32
    %dma_wait3A_484 = tpu.memref_slice %arg7[%dma_wait3A_482, %dma_wait3A_483] : memref<10000x128xf32, #tpu.memory_space<vmem_shared>> -> memref<10000x128xf32, #tpu.memory_space<vmem_shared>>
    tpu.wait_indirect_dma semaphore(%arg20 : memref<!tpu.dma_semaphore, #tpu.memory_space<semaphore_mem>>) src(%dma_wait3A_478 : memref<80x128xf32, #tpu.memory_space<vmem>>) dst(%dma_wait3A_484 : memref<10000x128xf32, #tpu.memory_space<vmem_shared>>)
    %dma_wait3A_485 = arith.constant 5 : i32
    %dma_wait3A_486 = arith.constant 0 : i32
    %dma_wait3A_487 = arith.constant 0 : i32
    %dma_wait3A_488 = tpu.memref_slice %arg9[%dma_wait3A_486, %dma_wait3A_487] : memref<128x128xf32, #tpu.memory_space<vmem>> -> memref<80x128xf32, #tpu.memory_space<vmem>>
    %dma_wait3A_489 = arith.constant 0 : i32
    %dma_wait3A_490 = tpu.memref_slice %arg8[%dma_wait3A_485, %dma_wait3A_489] : memref<8x80xi32, #tpu.memory_space<vmem>> -> memref<1x80xi32, #tpu.memory_space<vmem>>
    %dma_wait3A_491 = tpu.memref_squeeze %dma_wait3A_490 : memref<1x80xi32, #tpu.memory_space<vmem>> -> memref<80xi32, #tpu.memory_space<vmem>>
    %dma_wait3A_492 = arith.constant 0 : i32
    %dma_wait3A_493 = arith.constant 0 : i32
    %dma_wait3A_494 = tpu.memref_slice %arg7[%dma_wait3A_492, %dma_wait3A_493] : memref<10000x128xf32, #tpu.memory_space<vmem_shared>> -> memref<10000x128xf32, #tpu.memory_space<vmem_shared>>
    tpu.wait_indirect_dma semaphore(%arg20 : memref<!tpu.dma_semaphore, #tpu.memory_space<semaphore_mem>>) src(%dma_wait3A_488 : memref<80x128xf32, #tpu.memory_space<vmem>>) dst(%dma_wait3A_494 : memref<10000x128xf32, #tpu.memory_space<vmem_shared>>)
    %dma_wait3A_495 = arith.constant 6 : i32
    %dma_wait3A_496 = arith.constant 0 : i32
    %dma_wait3A_497 = arith.constant 0 : i32
    %dma_wait3A_498 = tpu.memref_slice %arg9[%dma_wait3A_496, %dma_wait3A_497] : memref<128x128xf32, #tpu.memory_space<vmem>> -> memref<80x128xf32, #tpu.memory_space<vmem>>
    %dma_wait3A_499 = arith.constant 0 : i32
    %dma_wait3A_500 = tpu.memref_slice %arg8[%dma_wait3A_495, %dma_wait3A_499] : memref<8x80xi32, #tpu.memory_space<vmem>> -> memref<1x80xi32, #tpu.memory_space<vmem>>
    %dma_wait3A_501 = tpu.memref_squeeze %dma_wait3A_500 : memref<1x80xi32, #tpu.memory_space<vmem>> -> memref<80xi32, #tpu.memory_space<vmem>>
    %dma_wait3A_502 = arith.constant 0 : i32
    %dma_wait3A_503 = arith.constant 0 : i32
    %dma_wait3A_504 = tpu.memref_slice %arg7[%dma_wait3A_502, %dma_wait3A_503] : memref<10000x128xf32, #tpu.memory_space<vmem_shared>> -> memref<10000x128xf32, #tpu.memory_space<vmem_shared>>
    tpu.wait_indirect_dma semaphore(%arg20 : memref<!tpu.dma_semaphore, #tpu.memory_space<semaphore_mem>>) src(%dma_wait3A_498 : memref<80x128xf32, #tpu.memory_space<vmem>>) dst(%dma_wait3A_504 : memref<10000x128xf32, #tpu.memory_space<vmem_shared>>)
    %add3A_505 = arith.constant 112 : i32
    %add3A_506 = arith.addi %add3A_505, %arg1 : i32
    %lt3A_507 = arith.constant 125 : i32
    %lt3A_508 = arith.cmpi slt, %add3A_506, %lt3A_507 : i32
    %convert_element_type3A_509 = arith.extui %lt3A_508 : i1 to i32
    %cond3A_510 = arith.constant 0 : i32
    %cond3A_511 = arith.cmpi ne, %convert_element_type3A_509, %cond3A_510 : i32
    scf.if %cond3A_511 {
      %dma_wait3A_949 = arith.constant 7 : i32
      %dma_wait3A_950 = arith.constant 0 : i32
      %dma_wait3A_951 = arith.constant 0 : i32
      %dma_wait3A_952 = tpu.memref_slice %arg9[%dma_wait3A_950, %dma_wait3A_951] : memref<128x128xf32, #tpu.memory_space<vmem>> -> memref<80x128xf32, #tpu.memory_space<vmem>>
      %dma_wait3A_953 = arith.constant 0 : i32
      %dma_wait3A_954 = tpu.memref_slice %arg8[%dma_wait3A_949, %dma_wait3A_953] : memref<8x80xi32, #tpu.memory_space<vmem>> -> memref<1x80xi32, #tpu.memory_space<vmem>>
      %dma_wait3A_955 = tpu.memref_squeeze %dma_wait3A_954 : memref<1x80xi32, #tpu.memory_space<vmem>> -> memref<80xi32, #tpu.memory_space<vmem>>
      %dma_wait3A_956 = arith.constant 0 : i32
      %dma_wait3A_957 = arith.constant 0 : i32
      %dma_wait3A_958 = tpu.memref_slice %arg7[%dma_wait3A_956, %dma_wait3A_957] : memref<10000x128xf32, #tpu.memory_space<vmem_shared>> -> memref<10000x128xf32, #tpu.memory_space<vmem_shared>>
      tpu.wait_indirect_dma semaphore(%arg20 : memref<!tpu.dma_semaphore, #tpu.memory_space<semaphore_mem>>) src(%dma_wait3A_952 : memref<80x128xf32, #tpu.memory_space<vmem>>) dst(%dma_wait3A_958 : memref<10000x128xf32, #tpu.memory_space<vmem_shared>>)
    } else {
    }
    %barrier3A = arith.constant 0 : index
    tpu.barrier barrier_id(%barrier3A)
    %mul3A_512 = arith.constant 16 : i32
    %mul3A_513 = arith.muli %arg0, %mul3A_512 : i32
    %add3A_514 = arith.addi %mul3A_513, %arg1 : i32
    %mul3A_515 = arith.constant 10000 : i32
    %mul3A_516 = arith.muli %add3A_514, %mul3A_515 : i32
    %add3A_517 = arith.constant 0 : i32
    %add3A_518 = arith.addi %mul3A_516, %add3A_517 : i32
    "tpu.region"() ({
      %run_scoped3A_949 = tpu.sem_alloc : memref<!tpu.dma_semaphore, #tpu.memory_space<semaphore_mem>>
      %dma_start3A_950 = tpu.memref_slice %arg3[%add3A_518] : memref<320000xi32, #tpu.memory_space<hbm>> -> memref<128xi32, #tpu.memory_space<hbm>>
      %dma_start3A_951 = tpu.memref_slice %arg3[%add3A_518] : memref<320000xi32, #tpu.memory_space<hbm>> -> memref<128xi32, #tpu.memory_space<hbm>>
      tpu.enqueue_dma source(%dma_start3A_951 : memref<128xi32, #tpu.memory_space<hbm>>) target(%arg11 : memref<128xi32, #tpu.memory_space<vmem>>) target_semaphore(%run_scoped3A_949 : memref<!tpu.dma_semaphore, #tpu.memory_space<semaphore_mem>>)
      %dma_wait3A_952 = tpu.memref_slice %arg3[%add3A_518] : memref<320000xi32, #tpu.memory_space<hbm>> -> memref<128xi32, #tpu.memory_space<hbm>>
      %dma_wait3A_953 = tpu.memref_slice %arg3[%add3A_518] : memref<320000xi32, #tpu.memory_space<hbm>> -> memref<128xi32, #tpu.memory_space<hbm>>
      tpu.wait_dma2 semaphore(%run_scoped3A_949 : memref<!tpu.dma_semaphore, #tpu.memory_space<semaphore_mem>>) src(%dma_wait3A_953 : memref<128xi32, #tpu.memory_space<hbm>>) dst(%arg11 : memref<128xi32, #tpu.memory_space<vmem>>)
      tpu.yield
    }) : () -> ()
    "tpu.region"() ({
      %run_scoped3A_949 = tpu.sem_alloc : memref<!tpu.dma_semaphore, #tpu.memory_space<semaphore_mem>>
      %dma_start3A_950 = tpu.memref_slice %arg4[%add3A_518] : memref<320000xi32, #tpu.memory_space<hbm>> -> memref<128xi32, #tpu.memory_space<hbm>>
      %dma_start3A_951 = tpu.memref_slice %arg4[%add3A_518] : memref<320000xi32, #tpu.memory_space<hbm>> -> memref<128xi32, #tpu.memory_space<hbm>>
      tpu.enqueue_dma source(%dma_start3A_951 : memref<128xi32, #tpu.memory_space<hbm>>) target(%arg13 : memref<128xi32, #tpu.memory_space<vmem>>) target_semaphore(%run_scoped3A_949 : memref<!tpu.dma_semaphore, #tpu.memory_space<semaphore_mem>>)
      %dma_wait3A_952 = tpu.memref_slice %arg4[%add3A_518] : memref<320000xi32, #tpu.memory_space<hbm>> -> memref<128xi32, #tpu.memory_space<hbm>>
      %dma_wait3A_953 = tpu.memref_slice %arg4[%add3A_518] : memref<320000xi32, #tpu.memory_space<hbm>> -> memref<128xi32, #tpu.memory_space<hbm>>
      tpu.wait_dma2 semaphore(%run_scoped3A_949 : memref<!tpu.dma_semaphore, #tpu.memory_space<semaphore_mem>>) src(%dma_wait3A_953 : memref<128xi32, #tpu.memory_space<hbm>>) dst(%arg13 : memref<128xi32, #tpu.memory_space<vmem>>)
      tpu.yield
    }) : () -> ()
    %dma_start3A_519 = arith.constant 0 : i32
    %dma_start3A_520 = arith.constant 0 : i32
    %dma_start3A_521 = tpu.memref_slice %arg2[%dma_start3A_519, %dma_start3A_520] : memref<10000x128xf32, #tpu.memory_space<hbm>> -> memref<10000x128xf32, #tpu.memory_space<hbm>>
    tpu.enqueue_indirect_dma source(%dma_start3A_521 : memref<10000x128xf32, #tpu.memory_space<hbm>>) target(%arg9 : memref<128x128xf32, #tpu.memory_space<vmem>>) offsets(%arg11 : memref<128xi32, #tpu.memory_space<vmem>>) semaphore(%arg18 : memref<!tpu.dma_semaphore, #tpu.memory_space<semaphore_mem>>)
    %add3A_522 = arith.constant 128 : i32
    %add3A_523 = arith.addi %mul3A_516, %add3A_522 : i32
    "tpu.region"() ({
      %run_scoped3A_949 = tpu.sem_alloc : memref<!tpu.dma_semaphore, #tpu.memory_space<semaphore_mem>>
      %dma_start3A_950 = tpu.memref_slice %arg3[%add3A_523] : memref<320000xi32, #tpu.memory_space<hbm>> -> memref<128xi32, #tpu.memory_space<hbm>>
      %dma_start3A_951 = tpu.memref_slice %arg3[%add3A_523] : memref<320000xi32, #tpu.memory_space<hbm>> -> memref<128xi32, #tpu.memory_space<hbm>>
      tpu.enqueue_dma source(%dma_start3A_951 : memref<128xi32, #tpu.memory_space<hbm>>) target(%arg12 : memref<128xi32, #tpu.memory_space<vmem>>) target_semaphore(%run_scoped3A_949 : memref<!tpu.dma_semaphore, #tpu.memory_space<semaphore_mem>>)
      %dma_wait3A_952 = tpu.memref_slice %arg3[%add3A_523] : memref<320000xi32, #tpu.memory_space<hbm>> -> memref<128xi32, #tpu.memory_space<hbm>>
      %dma_wait3A_953 = tpu.memref_slice %arg3[%add3A_523] : memref<320000xi32, #tpu.memory_space<hbm>> -> memref<128xi32, #tpu.memory_space<hbm>>
      tpu.wait_dma2 semaphore(%run_scoped3A_949 : memref<!tpu.dma_semaphore, #tpu.memory_space<semaphore_mem>>) src(%dma_wait3A_953 : memref<128xi32, #tpu.memory_space<hbm>>) dst(%arg12 : memref<128xi32, #tpu.memory_space<vmem>>)
      tpu.yield
    }) : () -> ()
    "tpu.region"() ({
      %run_scoped3A_949 = tpu.sem_alloc : memref<!tpu.dma_semaphore, #tpu.memory_space<semaphore_mem>>
      %dma_start3A_950 = tpu.memref_slice %arg4[%add3A_523] : memref<320000xi32, #tpu.memory_space<hbm>> -> memref<128xi32, #tpu.memory_space<hbm>>
      %dma_start3A_951 = tpu.memref_slice %arg4[%add3A_523] : memref<320000xi32, #tpu.memory_space<hbm>> -> memref<128xi32, #tpu.memory_space<hbm>>
      tpu.enqueue_dma source(%dma_start3A_951 : memref<128xi32, #tpu.memory_space<hbm>>) target(%arg14 : memref<128xi32, #tpu.memory_space<vmem>>) target_semaphore(%run_scoped3A_949 : memref<!tpu.dma_semaphore, #tpu.memory_space<semaphore_mem>>)
      %dma_wait3A_952 = tpu.memref_slice %arg4[%add3A_523] : memref<320000xi32, #tpu.memory_space<hbm>> -> memref<128xi32, #tpu.memory_space<hbm>>
      %dma_wait3A_953 = tpu.memref_slice %arg4[%add3A_523] : memref<320000xi32, #tpu.memory_space<hbm>> -> memref<128xi32, #tpu.memory_space<hbm>>
      tpu.wait_dma2 semaphore(%run_scoped3A_949 : memref<!tpu.dma_semaphore, #tpu.memory_space<semaphore_mem>>) src(%dma_wait3A_953 : memref<128xi32, #tpu.memory_space<hbm>>) dst(%arg14 : memref<128xi32, #tpu.memory_space<vmem>>)
      tpu.yield
    }) : () -> ()
    %dma_start3A_524 = arith.constant 0 : i32
    %dma_start3A_525 = arith.constant 0 : i32
    %dma_start3A_526 = tpu.memref_slice %arg2[%dma_start3A_524, %dma_start3A_525] : memref<10000x128xf32, #tpu.memory_space<hbm>> -> memref<10000x128xf32, #tpu.memory_space<hbm>>
    tpu.enqueue_indirect_dma source(%dma_start3A_526 : memref<10000x128xf32, #tpu.memory_space<hbm>>) target(%arg10 : memref<128x128xf32, #tpu.memory_space<vmem>>) offsets(%arg12 : memref<128xi32, #tpu.memory_space<vmem>>) semaphore(%arg19 : memref<!tpu.dma_semaphore, #tpu.memory_space<semaphore_mem>>)
    %scan3A_527 = arith.constant 0 : i32
    %scan3A_528 = arith.constant 0 : i32
    %scan3A_529 = arith.constant 39 : i32
    %scan3A_530 = arith.addi %scan3A_528, %scan3A_529 : i32
    %scan3A_531 = arith.constant 1 : i32
    scf.for %scan3A_949 = %scan3A_528 to %scan3A_530 step %scan3A_531  : i32 {
      %mul3A_950 = arith.constant 2 : i32
      %mul3A_951 = arith.muli %mul3A_950, %scan3A_949 : i32
      %dma_wait3A_952 = arith.constant 0 : i32
      %dma_wait3A_953 = arith.constant 0 : i32
      %dma_wait3A_954 = tpu.memref_slice %arg2[%dma_wait3A_952, %dma_wait3A_953] : memref<10000x128xf32, #tpu.memory_space<hbm>> -> memref<10000x128xf32, #tpu.memory_space<hbm>>
      tpu.wait_indirect_dma semaphore(%arg18 : memref<!tpu.dma_semaphore, #tpu.memory_space<semaphore_mem>>) src(%dma_wait3A_954 : memref<10000x128xf32, #tpu.memory_space<hbm>>) dst(%arg9 : memref<128x128xf32, #tpu.memory_space<vmem>>)
      %dma_start3A_955 = arith.constant 0 : i32
      %dma_start3A_956 = arith.constant 0 : i32
      %dma_start3A_957 = tpu.memref_slice %arg7[%dma_start3A_955, %dma_start3A_956] : memref<10000x128xf32, #tpu.memory_space<vmem_shared>> -> memref<10000x128xf32, #tpu.memory_space<vmem_shared>>
      tpu.enqueue_indirect_dma source(%arg9 : memref<128x128xf32, #tpu.memory_space<vmem>>) target(%dma_start3A_957 : memref<10000x128xf32, #tpu.memory_space<vmem_shared>>) offsets(%arg13 : memref<128xi32, #tpu.memory_space<vmem>>) semaphore(%arg20 : memref<!tpu.dma_semaphore, #tpu.memory_space<semaphore_mem>>) {add = true}
      %get3A_958 = arith.constant 0 : index
      %get3A_959 = tpu.vector_load %arg13[%get3A_958] {strides = array<i32>} : memref<128xi32, #tpu.memory_space<vmem>>, vector<16xi32>,
      tpu.vector_store_idx %arg17[%get3A_959], %broadcast_in_dim3A_2 {add = true} : memref<10000xf32, #tpu.memory_space<vmem>>[vector<16xi32>], vector<16xf32>,
      %get3A_960 = arith.constant 16 : index
      %get3A_961 = tpu.vector_load %arg13[%get3A_960] {strides = array<i32>} : memref<128xi32, #tpu.memory_space<vmem>>, vector<16xi32>,
      tpu.vector_store_idx %arg17[%get3A_961], %broadcast_in_dim3A_2 {add = true} : memref<10000xf32, #tpu.memory_space<vmem>>[vector<16xi32>], vector<16xf32>,
      %get3A_962 = arith.constant 32 : index
      %get3A_963 = tpu.vector_load %arg13[%get3A_962] {strides = array<i32>} : memref<128xi32, #tpu.memory_space<vmem>>, vector<16xi32>,
      tpu.vector_store_idx %arg17[%get3A_963], %broadcast_in_dim3A_2 {add = true} : memref<10000xf32, #tpu.memory_space<vmem>>[vector<16xi32>], vector<16xf32>,
      %get3A_964 = arith.constant 48 : index
      %get3A_965 = tpu.vector_load %arg13[%get3A_964] {strides = array<i32>} : memref<128xi32, #tpu.memory_space<vmem>>, vector<16xi32>,
      tpu.vector_store_idx %arg17[%get3A_965], %broadcast_in_dim3A_2 {add = true} : memref<10000xf32, #tpu.memory_space<vmem>>[vector<16xi32>], vector<16xf32>,
      %get3A_966 = arith.constant 64 : index
      %get3A_967 = tpu.vector_load %arg13[%get3A_966] {strides = array<i32>} : memref<128xi32, #tpu.memory_space<vmem>>, vector<16xi32>,
      tpu.vector_store_idx %arg17[%get3A_967], %broadcast_in_dim3A_2 {add = true} : memref<10000xf32, #tpu.memory_space<vmem>>[vector<16xi32>], vector<16xf32>,
      %get3A_968 = arith.constant 80 : index
      %get3A_969 = tpu.vector_load %arg13[%get3A_968] {strides = array<i32>} : memref<128xi32, #tpu.memory_space<vmem>>, vector<16xi32>,
      tpu.vector_store_idx %arg17[%get3A_969], %broadcast_in_dim3A_2 {add = true} : memref<10000xf32, #tpu.memory_space<vmem>>[vector<16xi32>], vector<16xf32>,
      %get3A_970 = arith.constant 96 : index
      %get3A_971 = tpu.vector_load %arg13[%get3A_970] {strides = array<i32>} : memref<128xi32, #tpu.memory_space<vmem>>, vector<16xi32>,
      tpu.vector_store_idx %arg17[%get3A_971], %broadcast_in_dim3A_2 {add = true} : memref<10000xf32, #tpu.memory_space<vmem>>[vector<16xi32>], vector<16xf32>,
      %get3A_972 = arith.constant 112 : index
      %get3A_973 = tpu.vector_load %arg13[%get3A_972] {strides = array<i32>} : memref<128xi32, #tpu.memory_space<vmem>>, vector<16xi32>,
      tpu.vector_store_idx %arg17[%get3A_973], %broadcast_in_dim3A_2 {add = true} : memref<10000xf32, #tpu.memory_space<vmem>>[vector<16xi32>], vector<16xf32>,
      %add3A_974 = arith.constant 2 : i32
      %add3A_975 = arith.addi %mul3A_951, %add3A_974 : i32
      %lt3A_976 = arith.constant 78 : i32
      %lt3A_977 = arith.cmpi slt, %add3A_975, %lt3A_976 : i32
      %convert_element_type3A_978 = arith.extui %lt3A_977 : i1 to i32
      %cond3A_979 = arith.constant 0 : i32
      %cond3A_980 = arith.cmpi ne, %convert_element_type3A_978, %cond3A_979 : i32
      scf.if %cond3A_980 {
        %dma_wait3A_1010 = arith.constant 0 : i32
        %dma_wait3A_1011 = arith.constant 0 : i32
        %dma_wait3A_1012 = tpu.memref_slice %arg7[%dma_wait3A_1010, %dma_wait3A_1011] : memref<10000x128xf32, #tpu.memory_space<vmem_shared>> -> memref<10000x128xf32, #tpu.memory_space<vmem_shared>>
        tpu.wait_indirect_dma semaphore(%arg20 : memref<!tpu.dma_semaphore, #tpu.memory_space<semaphore_mem>>) src(%arg9 : memref<128x128xf32, #tpu.memory_space<vmem>>) dst(%dma_wait3A_1012 : memref<10000x128xf32, #tpu.memory_space<vmem_shared>>)
        %add3A_1013 = arith.constant 2 : i32
        %add3A_1014 = arith.addi %mul3A_951, %add3A_1013 : i32
        %mul3A_1015 = arith.constant 128 : i32
        %mul3A_1016 = arith.muli %add3A_1014, %mul3A_1015 : i32
        %add3A_1017 = arith.addi %mul3A_516, %mul3A_1016 : i32
        "tpu.region"() ({
          %run_scoped3A_1021 = tpu.sem_alloc : memref<!tpu.dma_semaphore, #tpu.memory_space<semaphore_mem>>
          %dma_start3A_1022 = tpu.memref_slice %arg3[%add3A_1017] : memref<320000xi32, #tpu.memory_space<hbm>> -> memref<128xi32, #tpu.memory_space<hbm>>
          %dma_start3A_1023 = tpu.memref_slice %arg3[%add3A_1017] : memref<320000xi32, #tpu.memory_space<hbm>> -> memref<128xi32, #tpu.memory_space<hbm>>
          tpu.enqueue_dma source(%dma_start3A_1023 : memref<128xi32, #tpu.memory_space<hbm>>) target(%arg11 : memref<128xi32, #tpu.memory_space<vmem>>) target_semaphore(%run_scoped3A_1021 : memref<!tpu.dma_semaphore, #tpu.memory_space<semaphore_mem>>)
          %dma_wait3A_1024 = tpu.memref_slice %arg3[%add3A_1017] : memref<320000xi32, #tpu.memory_space<hbm>> -> memref<128xi32, #tpu.memory_space<hbm>>
          %dma_wait3A_1025 = tpu.memref_slice %arg3[%add3A_1017] : memref<320000xi32, #tpu.memory_space<hbm>> -> memref<128xi32, #tpu.memory_space<hbm>>
          tpu.wait_dma2 semaphore(%run_scoped3A_1021 : memref<!tpu.dma_semaphore, #tpu.memory_space<semaphore_mem>>) src(%dma_wait3A_1025 : memref<128xi32, #tpu.memory_space<hbm>>) dst(%arg11 : memref<128xi32, #tpu.memory_space<vmem>>)
          tpu.yield
        }) : () -> ()
        "tpu.region"() ({
          %run_scoped3A_1021 = tpu.sem_alloc : memref<!tpu.dma_semaphore, #tpu.memory_space<semaphore_mem>>
          %dma_start3A_1022 = tpu.memref_slice %arg4[%add3A_1017] : memref<320000xi32, #tpu.memory_space<hbm>> -> memref<128xi32, #tpu.memory_space<hbm>>
          %dma_start3A_1023 = tpu.memref_slice %arg4[%add3A_1017] : memref<320000xi32, #tpu.memory_space<hbm>> -> memref<128xi32, #tpu.memory_space<hbm>>
          tpu.enqueue_dma source(%dma_start3A_1023 : memref<128xi32, #tpu.memory_space<hbm>>) target(%arg13 : memref<128xi32, #tpu.memory_space<vmem>>) target_semaphore(%run_scoped3A_1021 : memref<!tpu.dma_semaphore, #tpu.memory_space<semaphore_mem>>)
          %dma_wait3A_1024 = tpu.memref_slice %arg4[%add3A_1017] : memref<320000xi32, #tpu.memory_space<hbm>> -> memref<128xi32, #tpu.memory_space<hbm>>
          %dma_wait3A_1025 = tpu.memref_slice %arg4[%add3A_1017] : memref<320000xi32, #tpu.memory_space<hbm>> -> memref<128xi32, #tpu.memory_space<hbm>>
          tpu.wait_dma2 semaphore(%run_scoped3A_1021 : memref<!tpu.dma_semaphore, #tpu.memory_space<semaphore_mem>>) src(%dma_wait3A_1025 : memref<128xi32, #tpu.memory_space<hbm>>) dst(%arg13 : memref<128xi32, #tpu.memory_space<vmem>>)
          tpu.yield
        }) : () -> ()
        %dma_start3A_1018 = arith.constant 0 : i32
        %dma_start3A_1019 = arith.constant 0 : i32
        %dma_start3A_1020 = tpu.memref_slice %arg2[%dma_start3A_1018, %dma_start3A_1019] : memref<10000x128xf32, #tpu.memory_space<hbm>> -> memref<10000x128xf32, #tpu.memory_space<hbm>>
        tpu.enqueue_indirect_dma source(%dma_start3A_1020 : memref<10000x128xf32, #tpu.memory_space<hbm>>) target(%arg9 : memref<128x128xf32, #tpu.memory_space<vmem>>) offsets(%arg11 : memref<128xi32, #tpu.memory_space<vmem>>) semaphore(%arg18 : memref<!tpu.dma_semaphore, #tpu.memory_space<semaphore_mem>>)
      } else {
      }
      %dma_wait3A_981 = arith.constant 0 : i32
      %dma_wait3A_982 = arith.constant 0 : i32
      %dma_wait3A_983 = tpu.memref_slice %arg2[%dma_wait3A_981, %dma_wait3A_982] : memref<10000x128xf32, #tpu.memory_space<hbm>> -> memref<10000x128xf32, #tpu.memory_space<hbm>>
      tpu.wait_indirect_dma semaphore(%arg19 : memref<!tpu.dma_semaphore, #tpu.memory_space<semaphore_mem>>) src(%dma_wait3A_983 : memref<10000x128xf32, #tpu.memory_space<hbm>>) dst(%arg10 : memref<128x128xf32, #tpu.memory_space<vmem>>)
      %dma_start3A_984 = arith.constant 0 : i32
      %dma_start3A_985 = arith.constant 0 : i32
      %dma_start3A_986 = tpu.memref_slice %arg7[%dma_start3A_984, %dma_start3A_985] : memref<10000x128xf32, #tpu.memory_space<vmem_shared>> -> memref<10000x128xf32, #tpu.memory_space<vmem_shared>>
      tpu.enqueue_indirect_dma source(%arg10 : memref<128x128xf32, #tpu.memory_space<vmem>>) target(%dma_start3A_986 : memref<10000x128xf32, #tpu.memory_space<vmem_shared>>) offsets(%arg14 : memref<128xi32, #tpu.memory_space<vmem>>) semaphore(%arg21 : memref<!tpu.dma_semaphore, #tpu.memory_space<semaphore_mem>>) {add = true}
      %get3A_987 = arith.constant 0 : index
      %get3A_988 = tpu.vector_load %arg14[%get3A_987] {strides = array<i32>} : memref<128xi32, #tpu.memory_space<vmem>>, vector<16xi32>,
      tpu.vector_store_idx %arg17[%get3A_988], %broadcast_in_dim3A_2 {add = true} : memref<10000xf32, #tpu.memory_space<vmem>>[vector<16xi32>], vector<16xf32>,
      %get3A_989 = arith.constant 16 : index
      %get3A_990 = tpu.vector_load %arg14[%get3A_989] {strides = array<i32>} : memref<128xi32, #tpu.memory_space<vmem>>, vector<16xi32>,
      tpu.vector_store_idx %arg17[%get3A_990], %broadcast_in_dim3A_2 {add = true} : memref<10000xf32, #tpu.memory_space<vmem>>[vector<16xi32>], vector<16xf32>,
      %get3A_991 = arith.constant 32 : index
      %get3A_992 = tpu.vector_load %arg14[%get3A_991] {strides = array<i32>} : memref<128xi32, #tpu.memory_space<vmem>>, vector<16xi32>,
      tpu.vector_store_idx %arg17[%get3A_992], %broadcast_in_dim3A_2 {add = true} : memref<10000xf32, #tpu.memory_space<vmem>>[vector<16xi32>], vector<16xf32>,
      %get3A_993 = arith.constant 48 : index
      %get3A_994 = tpu.vector_load %arg14[%get3A_993] {strides = array<i32>} : memref<128xi32, #tpu.memory_space<vmem>>, vector<16xi32>,
      tpu.vector_store_idx %arg17[%get3A_994], %broadcast_in_dim3A_2 {add = true} : memref<10000xf32, #tpu.memory_space<vmem>>[vector<16xi32>], vector<16xf32>,
      %get3A_995 = arith.constant 64 : index
      %get3A_996 = tpu.vector_load %arg14[%get3A_995] {strides = array<i32>} : memref<128xi32, #tpu.memory_space<vmem>>, vector<16xi32>,
      tpu.vector_store_idx %arg17[%get3A_996], %broadcast_in_dim3A_2 {add = true} : memref<10000xf32, #tpu.memory_space<vmem>>[vector<16xi32>], vector<16xf32>,
      %get3A_997 = arith.constant 80 : index
      %get3A_998 = tpu.vector_load %arg14[%get3A_997] {strides = array<i32>} : memref<128xi32, #tpu.memory_space<vmem>>, vector<16xi32>,
      tpu.vector_store_idx %arg17[%get3A_998], %broadcast_in_dim3A_2 {add = true} : memref<10000xf32, #tpu.memory_space<vmem>>[vector<16xi32>], vector<16xf32>,
      %get3A_999 = arith.constant 96 : index
      %get3A_1000 = tpu.vector_load %arg14[%get3A_999] {strides = array<i32>} : memref<128xi32, #tpu.memory_space<vmem>>, vector<16xi32>,
      tpu.vector_store_idx %arg17[%get3A_1000], %broadcast_in_dim3A_2 {add = true} : memref<10000xf32, #tpu.memory_space<vmem>>[vector<16xi32>], vector<16xf32>,
      %get3A_1001 = arith.constant 112 : index
      %get3A_1002 = tpu.vector_load %arg14[%get3A_1001] {strides = array<i32>} : memref<128xi32, #tpu.memory_space<vmem>>, vector<16xi32>,
      tpu.vector_store_idx %arg17[%get3A_1002], %broadcast_in_dim3A_2 {add = true} : memref<10000xf32, #tpu.memory_space<vmem>>[vector<16xi32>], vector<16xf32>,
      %add3A_1003 = arith.constant 3 : i32
      %add3A_1004 = arith.addi %mul3A_951, %add3A_1003 : i32
      %lt3A_1005 = arith.constant 78 : i32
      %lt3A_1006 = arith.cmpi slt, %add3A_1004, %lt3A_1005 : i32
      %convert_element_type3A_1007 = arith.extui %lt3A_1006 : i1 to i32
      %cond3A_1008 = arith.constant 0 : i32
      %cond3A_1009 = arith.cmpi ne, %convert_element_type3A_1007, %cond3A_1008 : i32
      scf.if %cond3A_1009 {
        %dma_wait3A_1010 = arith.constant 0 : i32
        %dma_wait3A_1011 = arith.constant 0 : i32
        %dma_wait3A_1012 = tpu.memref_slice %arg7[%dma_wait3A_1010, %dma_wait3A_1011] : memref<10000x128xf32, #tpu.memory_space<vmem_shared>> -> memref<10000x128xf32, #tpu.memory_space<vmem_shared>>
        tpu.wait_indirect_dma semaphore(%arg21 : memref<!tpu.dma_semaphore, #tpu.memory_space<semaphore_mem>>) src(%arg10 : memref<128x128xf32, #tpu.memory_space<vmem>>) dst(%dma_wait3A_1012 : memref<10000x128xf32, #tpu.memory_space<vmem_shared>>)
        %add3A_1013 = arith.constant 3 : i32
        %add3A_1014 = arith.addi %mul3A_951, %add3A_1013 : i32
        %mul3A_1015 = arith.constant 128 : i32
        %mul3A_1016 = arith.muli %add3A_1014, %mul3A_1015 : i32
        %add3A_1017 = arith.addi %mul3A_516, %mul3A_1016 : i32
        "tpu.region"() ({
          %run_scoped3A_1021 = tpu.sem_alloc : memref<!tpu.dma_semaphore, #tpu.memory_space<semaphore_mem>>
          %dma_start3A_1022 = tpu.memref_slice %arg3[%add3A_1017] : memref<320000xi32, #tpu.memory_space<hbm>> -> memref<128xi32, #tpu.memory_space<hbm>>
          %dma_start3A_1023 = tpu.memref_slice %arg3[%add3A_1017] : memref<320000xi32, #tpu.memory_space<hbm>> -> memref<128xi32, #tpu.memory_space<hbm>>
          tpu.enqueue_dma source(%dma_start3A_1023 : memref<128xi32, #tpu.memory_space<hbm>>) target(%arg12 : memref<128xi32, #tpu.memory_space<vmem>>) target_semaphore(%run_scoped3A_1021 : memref<!tpu.dma_semaphore, #tpu.memory_space<semaphore_mem>>)
          %dma_wait3A_1024 = tpu.memref_slice %arg3[%add3A_1017] : memref<320000xi32, #tpu.memory_space<hbm>> -> memref<128xi32, #tpu.memory_space<hbm>>
          %dma_wait3A_1025 = tpu.memref_slice %arg3[%add3A_1017] : memref<320000xi32, #tpu.memory_space<hbm>> -> memref<128xi32, #tpu.memory_space<hbm>>
          tpu.wait_dma2 semaphore(%run_scoped3A_1021 : memref<!tpu.dma_semaphore, #tpu.memory_space<semaphore_mem>>) src(%dma_wait3A_1025 : memref<128xi32, #tpu.memory_space<hbm>>) dst(%arg12 : memref<128xi32, #tpu.memory_space<vmem>>)
          tpu.yield
        }) : () -> ()
        "tpu.region"() ({
          %run_scoped3A_1021 = tpu.sem_alloc : memref<!tpu.dma_semaphore, #tpu.memory_space<semaphore_mem>>
          %dma_start3A_1022 = tpu.memref_slice %arg4[%add3A_1017] : memref<320000xi32, #tpu.memory_space<hbm>> -> memref<128xi32, #tpu.memory_space<hbm>>
          %dma_start3A_1023 = tpu.memref_slice %arg4[%add3A_1017] : memref<320000xi32, #tpu.memory_space<hbm>> -> memref<128xi32, #tpu.memory_space<hbm>>
          tpu.enqueue_dma source(%dma_start3A_1023 : memref<128xi32, #tpu.memory_space<hbm>>) target(%arg14 : memref<128xi32, #tpu.memory_space<vmem>>) target_semaphore(%run_scoped3A_1021 : memref<!tpu.dma_semaphore, #tpu.memory_space<semaphore_mem>>)
          %dma_wait3A_1024 = tpu.memref_slice %arg4[%add3A_1017] : memref<320000xi32, #tpu.memory_space<hbm>> -> memref<128xi32, #tpu.memory_space<hbm>>
          %dma_wait3A_1025 = tpu.memref_slice %arg4[%add3A_1017] : memref<320000xi32, #tpu.memory_space<hbm>> -> memref<128xi32, #tpu.memory_space<hbm>>
          tpu.wait_dma2 semaphore(%run_scoped3A_1021 : memref<!tpu.dma_semaphore, #tpu.memory_space<semaphore_mem>>) src(%dma_wait3A_1025 : memref<128xi32, #tpu.memory_space<hbm>>) dst(%arg14 : memref<128xi32, #tpu.memory_space<vmem>>)
          tpu.yield
        }) : () -> ()
        %dma_start3A_1018 = arith.constant 0 : i32
        %dma_start3A_1019 = arith.constant 0 : i32
        %dma_start3A_1020 = tpu.memref_slice %arg2[%dma_start3A_1018, %dma_start3A_1019] : memref<10000x128xf32, #tpu.memory_space<hbm>> -> memref<10000x128xf32, #tpu.memory_space<hbm>>
        tpu.enqueue_indirect_dma source(%dma_start3A_1020 : memref<10000x128xf32, #tpu.memory_space<hbm>>) target(%arg10 : memref<128x128xf32, #tpu.memory_space<vmem>>) offsets(%arg12 : memref<128xi32, #tpu.memory_space<vmem>>) semaphore(%arg19 : memref<!tpu.dma_semaphore, #tpu.memory_space<semaphore_mem>>)
      } else {
      }
    }
    %scan3A_532 = arith.constant 39 : i32
    %dma_wait3A_533 = arith.constant 0 : i32
    %dma_wait3A_534 = arith.constant 0 : i32
    %dma_wait3A_535 = tpu.memref_slice %arg7[%dma_wait3A_533, %dma_wait3A_534] : memref<10000x128xf32, #tpu.memory_space<vmem_shared>> -> memref<10000x128xf32, #tpu.memory_space<vmem_shared>>
    tpu.wait_indirect_dma semaphore(%arg20 : memref<!tpu.dma_semaphore, #tpu.memory_space<semaphore_mem>>) src(%arg9 : memref<128x128xf32, #tpu.memory_space<vmem>>) dst(%dma_wait3A_535 : memref<10000x128xf32, #tpu.memory_space<vmem_shared>>)
    %dma_wait3A_536 = arith.constant 0 : i32
    %dma_wait3A_537 = arith.constant 0 : i32
    %dma_wait3A_538 = tpu.memref_slice %arg7[%dma_wait3A_536, %dma_wait3A_537] : memref<10000x128xf32, #tpu.memory_space<vmem_shared>> -> memref<10000x128xf32, #tpu.memory_space<vmem_shared>>
    tpu.wait_indirect_dma semaphore(%arg21 : memref<!tpu.dma_semaphore, #tpu.memory_space<semaphore_mem>>) src(%arg10 : memref<128x128xf32, #tpu.memory_space<vmem>>) dst(%dma_wait3A_538 : memref<10000x128xf32, #tpu.memory_space<vmem_shared>>)
    %add3A_539 = arith.constant 9984 : i32
    %add3A_540 = arith.addi %mul3A_516, %add3A_539 : i32
    "tpu.region"() ({
      %run_scoped3A_949 = tpu.sem_alloc : memref<!tpu.dma_semaphore, #tpu.memory_space<semaphore_mem>>
      %dma_start3A_950 = tpu.memref_slice %arg3[%add3A_540] : memref<320000xi32, #tpu.memory_space<hbm>> -> memref<16xi32, #tpu.memory_space<hbm>>
      %dma_start3A_951 = tpu.memref_slice %arg3[%add3A_540] : memref<320000xi32, #tpu.memory_space<hbm>> -> memref<16xi32, #tpu.memory_space<hbm>>
      tpu.enqueue_dma source(%dma_start3A_951 : memref<16xi32, #tpu.memory_space<hbm>>) target(%arg15 : memref<16xi32, #tpu.memory_space<vmem>>) target_semaphore(%run_scoped3A_949 : memref<!tpu.dma_semaphore, #tpu.memory_space<semaphore_mem>>)
      %dma_wait3A_952 = tpu.memref_slice %arg3[%add3A_540] : memref<320000xi32, #tpu.memory_space<hbm>> -> memref<16xi32, #tpu.memory_space<hbm>>
      %dma_wait3A_953 = tpu.memref_slice %arg3[%add3A_540] : memref<320000xi32, #tpu.memory_space<hbm>> -> memref<16xi32, #tpu.memory_space<hbm>>
      tpu.wait_dma2 semaphore(%run_scoped3A_949 : memref<!tpu.dma_semaphore, #tpu.memory_space<semaphore_mem>>) src(%dma_wait3A_953 : memref<16xi32, #tpu.memory_space<hbm>>) dst(%arg15 : memref<16xi32, #tpu.memory_space<vmem>>)
      tpu.yield
    }) : () -> ()
    "tpu.region"() ({
      %run_scoped3A_949 = tpu.sem_alloc : memref<!tpu.dma_semaphore, #tpu.memory_space<semaphore_mem>>
      %dma_start3A_950 = tpu.memref_slice %arg4[%add3A_540] : memref<320000xi32, #tpu.memory_space<hbm>> -> memref<16xi32, #tpu.memory_space<hbm>>
      %dma_start3A_951 = tpu.memref_slice %arg4[%add3A_540] : memref<320000xi32, #tpu.memory_space<hbm>> -> memref<16xi32, #tpu.memory_space<hbm>>
      tpu.enqueue_dma source(%dma_start3A_951 : memref<16xi32, #tpu.memory_space<hbm>>) target(%arg16 : memref<16xi32, #tpu.memory_space<vmem>>) target_semaphore(%run_scoped3A_949 : memref<!tpu.dma_semaphore, #tpu.memory_space<semaphore_mem>>)
      %dma_wait3A_952 = tpu.memref_slice %arg4[%add3A_540] : memref<320000xi32, #tpu.memory_space<hbm>> -> memref<16xi32, #tpu.memory_space<hbm>>
      %dma_wait3A_953 = tpu.memref_slice %arg4[%add3A_540] : memref<320000xi32, #tpu.memory_space<hbm>> -> memref<16xi32, #tpu.memory_space<hbm>>
      tpu.wait_dma2 semaphore(%run_scoped3A_949 : memref<!tpu.dma_semaphore, #tpu.memory_space<semaphore_mem>>) src(%dma_wait3A_953 : memref<16xi32, #tpu.memory_space<hbm>>) dst(%arg16 : memref<16xi32, #tpu.memory_space<vmem>>)
      tpu.yield
    }) : () -> ()
    %dma_start3A_541 = arith.constant 0 : i32
    %dma_start3A_542 = arith.constant 0 : i32
    %dma_start3A_543 = tpu.memref_slice %arg9[%dma_start3A_541, %dma_start3A_542] : memref<128x128xf32, #tpu.memory_space<vmem>> -> memref<16x128xf32, #tpu.memory_space<vmem>>
    %dma_start3A_544 = arith.constant 0 : i32
    %dma_start3A_545 = arith.constant 0 : i32
    %dma_start3A_546 = tpu.memref_slice %arg2[%dma_start3A_544, %dma_start3A_545] : memref<10000x128xf32, #tpu.memory_space<hbm>> -> memref<10000x128xf32, #tpu.memory_space<hbm>>
    tpu.enqueue_indirect_dma source(%dma_start3A_546 : memref<10000x128xf32, #tpu.memory_space<hbm>>) target(%dma_start3A_543 : memref<16x128xf32, #tpu.memory_space<vmem>>) offsets(%arg15 : memref<16xi32, #tpu.memory_space<vmem>>) semaphore(%arg18 : memref<!tpu.dma_semaphore, #tpu.memory_space<semaphore_mem>>)
    %dma_wait3A_547 = arith.constant 0 : i32
    %dma_wait3A_548 = arith.constant 0 : i32
    %dma_wait3A_549 = tpu.memref_slice %arg9[%dma_wait3A_547, %dma_wait3A_548] : memref<128x128xf32, #tpu.memory_space<vmem>> -> memref<16x128xf32, #tpu.memory_space<vmem>>
    %dma_wait3A_550 = arith.constant 0 : i32
    %dma_wait3A_551 = arith.constant 0 : i32
    %dma_wait3A_552 = tpu.memref_slice %arg2[%dma_wait3A_550, %dma_wait3A_551] : memref<10000x128xf32, #tpu.memory_space<hbm>> -> memref<10000x128xf32, #tpu.memory_space<hbm>>
    tpu.wait_indirect_dma semaphore(%arg18 : memref<!tpu.dma_semaphore, #tpu.memory_space<semaphore_mem>>) src(%dma_wait3A_552 : memref<10000x128xf32, #tpu.memory_space<hbm>>) dst(%dma_wait3A_549 : memref<16x128xf32, #tpu.memory_space<vmem>>)
    "tpu.region"() ({
      %run_scoped3A_949 = tpu.sem_alloc : memref<!tpu.dma_semaphore, #tpu.memory_space<semaphore_mem>>
      %dma_start3A_950 = arith.constant 0 : i32
      %dma_start3A_951 = arith.constant 0 : i32
      %dma_start3A_952 = tpu.memref_slice %arg9[%dma_start3A_950, %dma_start3A_951] : memref<128x128xf32, #tpu.memory_space<vmem>> -> memref<16x128xf32, #tpu.memory_space<vmem>>
      %dma_start3A_953 = arith.constant 0 : i32
      %dma_start3A_954 = arith.constant 0 : i32
      %dma_start3A_955 = tpu.memref_slice %arg7[%dma_start3A_953, %dma_start3A_954] : memref<10000x128xf32, #tpu.memory_space<vmem_shared>> -> memref<10000x128xf32, #tpu.memory_space<vmem_shared>>
      tpu.enqueue_indirect_dma source(%dma_start3A_952 : memref<16x128xf32, #tpu.memory_space<vmem>>) target(%dma_start3A_955 : memref<10000x128xf32, #tpu.memory_space<vmem_shared>>) offsets(%arg16 : memref<16xi32, #tpu.memory_space<vmem>>) semaphore(%run_scoped3A_949 : memref<!tpu.dma_semaphore, #tpu.memory_space<semaphore_mem>>) {add = true}
      %dma_wait3A_956 = arith.constant 0 : i32
      %dma_wait3A_957 = arith.constant 0 : i32
      %dma_wait3A_958 = tpu.memref_slice %arg9[%dma_wait3A_956, %dma_wait3A_957] : memref<128x128xf32, #tpu.memory_space<vmem>> -> memref<16x128xf32, #tpu.memory_space<vmem>>
      %dma_wait3A_959 = arith.constant 0 : i32
      %dma_wait3A_960 = arith.constant 0 : i32
      %dma_wait3A_961 = tpu.memref_slice %arg7[%dma_wait3A_959, %dma_wait3A_960] : memref<10000x128xf32, #tpu.memory_space<vmem_shared>> -> memref<10000x128xf32, #tpu.memory_space<vmem_shared>>
      tpu.wait_indirect_dma semaphore(%run_scoped3A_949 : memref<!tpu.dma_semaphore, #tpu.memory_space<semaphore_mem>>) src(%dma_wait3A_958 : memref<16x128xf32, #tpu.memory_space<vmem>>) dst(%dma_wait3A_961 : memref<10000x128xf32, #tpu.memory_space<vmem_shared>>)
      tpu.yield
    }) : () -> ()
    %get3A = arith.constant 0 : index
    %get3A_553 = tpu.vector_load %arg16[%get3A] {strides = array<i32>} : memref<16xi32, #tpu.memory_space<vmem>>, vector<16xi32>,
    tpu.vector_store_idx %arg17[%get3A_553], %broadcast_in_dim3A_2 {add = true} : memref<10000xf32, #tpu.memory_space<vmem>>[vector<16xi32>], vector<16xf32>,
    %barrier3A_554 = arith.constant 0 : index
    tpu.barrier barrier_id(%barrier3A_554)
    %dma_start3A_555 = arith.constant 0 : i32
    %dma_start3A_556 = arith.constant 0 : i32
    %dma_start3A_557 = arith.constant 0 : i32
    %dma_start3A_558 = tpu.memref_slice %arg9[%dma_start3A_556, %dma_start3A_557] : memref<128x128xf32, #tpu.memory_space<vmem>> -> memref<80x128xf32, #tpu.memory_space<vmem>>
    %dma_start3A_559 = arith.constant 0 : i32
    %dma_start3A_560 = tpu.memref_slice %arg8[%dma_start3A_555, %dma_start3A_559] : memref<8x80xi32, #tpu.memory_space<vmem>> -> memref<1x80xi32, #tpu.memory_space<vmem>>
    %dma_start3A_561 = tpu.memref_squeeze %dma_start3A_560 : memref<1x80xi32, #tpu.memory_space<vmem>> -> memref<80xi32, #tpu.memory_space<vmem>>
    %dma_start3A_562 = arith.constant 0 : i32
    %dma_start3A_563 = arith.constant 0 : i32
    %dma_start3A_564 = tpu.memref_slice %arg7[%dma_start3A_562, %dma_start3A_563] : memref<10000x128xf32, #tpu.memory_space<vmem_shared>> -> memref<10000x128xf32, #tpu.memory_space<vmem_shared>>
    tpu.enqueue_indirect_dma source(%dma_start3A_564 : memref<10000x128xf32, #tpu.memory_space<vmem_shared>>) target(%dma_start3A_558 : memref<80x128xf32, #tpu.memory_space<vmem>>) offsets(%dma_start3A_561 : memref<80xi32, #tpu.memory_space<vmem>>) semaphore(%arg18 : memref<!tpu.dma_semaphore, #tpu.memory_space<semaphore_mem>>)
    %dma_start3A_565 = arith.constant 1 : i32
    %dma_start3A_566 = arith.constant 0 : i32
    %dma_start3A_567 = arith.constant 0 : i32
    %dma_start3A_568 = tpu.memref_slice %arg10[%dma_start3A_566, %dma_start3A_567] : memref<128x128xf32, #tpu.memory_space<vmem>> -> memref<80x128xf32, #tpu.memory_space<vmem>>
    %dma_start3A_569 = arith.constant 0 : i32
    %dma_start3A_570 = tpu.memref_slice %arg8[%dma_start3A_565, %dma_start3A_569] : memref<8x80xi32, #tpu.memory_space<vmem>> -> memref<1x80xi32, #tpu.memory_space<vmem>>
    %dma_start3A_571 = tpu.memref_squeeze %dma_start3A_570 : memref<1x80xi32, #tpu.memory_space<vmem>> -> memref<80xi32, #tpu.memory_space<vmem>>
    %dma_start3A_572 = arith.constant 0 : i32
    %dma_start3A_573 = arith.constant 0 : i32
    %dma_start3A_574 = tpu.memref_slice %arg7[%dma_start3A_572, %dma_start3A_573] : memref<10000x128xf32, #tpu.memory_space<vmem_shared>> -> memref<10000x128xf32, #tpu.memory_space<vmem_shared>>
    tpu.enqueue_indirect_dma source(%dma_start3A_574 : memref<10000x128xf32, #tpu.memory_space<vmem_shared>>) target(%dma_start3A_568 : memref<80x128xf32, #tpu.memory_space<vmem>>) offsets(%dma_start3A_571 : memref<80xi32, #tpu.memory_space<vmem>>) semaphore(%arg19 : memref<!tpu.dma_semaphore, #tpu.memory_space<semaphore_mem>>)
    %dma_wait3A_575 = arith.constant 0 : i32
    %dma_wait3A_576 = arith.constant 0 : i32
    %dma_wait3A_577 = arith.constant 0 : i32
    %dma_wait3A_578 = tpu.memref_slice %arg9[%dma_wait3A_576, %dma_wait3A_577] : memref<128x128xf32, #tpu.memory_space<vmem>> -> memref<80x128xf32, #tpu.memory_space<vmem>>
    %dma_wait3A_579 = arith.constant 0 : i32
    %dma_wait3A_580 = tpu.memref_slice %arg8[%dma_wait3A_575, %dma_wait3A_579] : memref<8x80xi32, #tpu.memory_space<vmem>> -> memref<1x80xi32, #tpu.memory_space<vmem>>
    %dma_wait3A_581 = tpu.memref_squeeze %dma_wait3A_580 : memref<1x80xi32, #tpu.memory_space<vmem>> -> memref<80xi32, #tpu.memory_space<vmem>>
    %dma_wait3A_582 = arith.constant 0 : i32
    %dma_wait3A_583 = arith.constant 0 : i32
    %dma_wait3A_584 = tpu.memref_slice %arg7[%dma_wait3A_582, %dma_wait3A_583] : memref<10000x128xf32, #tpu.memory_space<vmem_shared>> -> memref<10000x128xf32, #tpu.memory_space<vmem_shared>>
    tpu.wait_indirect_dma semaphore(%arg18 : memref<!tpu.dma_semaphore, #tpu.memory_space<semaphore_mem>>) src(%dma_wait3A_584 : memref<10000x128xf32, #tpu.memory_space<vmem_shared>>) dst(%dma_wait3A_578 : memref<80x128xf32, #tpu.memory_space<vmem>>)
    %add3A_585 = arith.constant 0 : i32
    %add3A_586 = arith.addi %add3A_585, %arg1 : i32
    %mul3A_587 = arith.constant 80 : i32
    %mul3A_588 = arith.muli %add3A_586, %mul3A_587 : i32
    %multiple_of3A = tpu.assume_multiple %mul3A_588, 8 : i32
    %dma_start3A_589 = arith.constant 0 : i32
    %dma_start3A_590 = arith.constant 0 : i32
    %dma_start3A_591 = tpu.memref_slice %arg9[%dma_start3A_589, %dma_start3A_590] : memref<128x128xf32, #tpu.memory_space<vmem>> -> memref<80x128xf32, #tpu.memory_space<vmem>>
    %dma_start3A_592 = arith.constant 0 : i32
    %dma_start3A_593 = tpu.memref_slice %arg5[%arg0, %multiple_of3A, %dma_start3A_592] : memref<2x10000x128xf32, #tpu.memory_space<hbm>> -> memref<1x80x128xf32, #tpu.memory_space<hbm>>
    %dma_start3A_594 = tpu.memref_squeeze %dma_start3A_593 : memref<1x80x128xf32, #tpu.memory_space<hbm>> -> memref<80x128xf32, #tpu.memory_space<hbm>>
    %dma_start3A_595 = arith.constant 0 : i32
    %dma_start3A_596 = tpu.memref_slice %arg5[%arg0, %multiple_of3A, %dma_start3A_595] : memref<2x10000x128xf32, #tpu.memory_space<hbm>> -> memref<1x80x128xf32, #tpu.memory_space<hbm>>
    %dma_start3A_597 = tpu.memref_squeeze %dma_start3A_596 : memref<1x80x128xf32, #tpu.memory_space<hbm>> -> memref<80x128xf32, #tpu.memory_space<hbm>>
    %dma_start3A_598 = arith.constant 0 : i32
    %dma_start3A_599 = arith.constant 0 : i32
    %dma_start3A_600 = tpu.memref_slice %arg9[%dma_start3A_598, %dma_start3A_599] : memref<128x128xf32, #tpu.memory_space<vmem>> -> memref<80x128xf32, #tpu.memory_space<vmem>>
    tpu.enqueue_dma source(%dma_start3A_600 : memref<80x128xf32, #tpu.memory_space<vmem>>) target(%dma_start3A_597 : memref<80x128xf32, #tpu.memory_space<hbm>>) target_semaphore(%arg20 : memref<!tpu.dma_semaphore, #tpu.memory_space<semaphore_mem>>)
    %add3A_601 = arith.constant 0 : i32
    %add3A_602 = arith.addi %add3A_601, %arg1 : i32
    %mul3A_603 = arith.constant 80 : i32
    %mul3A_604 = arith.muli %add3A_602, %mul3A_603 : i32
    %multiple_of3A_605 = tpu.assume_multiple %mul3A_604, 8 : i32
    %dma_wait3A_606 = arith.constant 0 : i32
    %dma_wait3A_607 = arith.constant 0 : i32
    %dma_wait3A_608 = tpu.memref_slice %arg9[%dma_wait3A_606, %dma_wait3A_607] : memref<128x128xf32, #tpu.memory_space<vmem>> -> memref<80x128xf32, #tpu.memory_space<vmem>>
    %dma_wait3A_609 = arith.constant 0 : i32
    %dma_wait3A_610 = tpu.memref_slice %arg5[%arg0, %multiple_of3A_605, %dma_wait3A_609] : memref<2x10000x128xf32, #tpu.memory_space<hbm>> -> memref<1x80x128xf32, #tpu.memory_space<hbm>>
    %dma_wait3A_611 = tpu.memref_squeeze %dma_wait3A_610 : memref<1x80x128xf32, #tpu.memory_space<hbm>> -> memref<80x128xf32, #tpu.memory_space<hbm>>
    %dma_wait3A_612 = arith.constant 0 : i32
    %dma_wait3A_613 = tpu.memref_slice %arg5[%arg0, %multiple_of3A_605, %dma_wait3A_612] : memref<2x10000x128xf32, #tpu.memory_space<hbm>> -> memref<1x80x128xf32, #tpu.memory_space<hbm>>
    %dma_wait3A_614 = tpu.memref_squeeze %dma_wait3A_613 : memref<1x80x128xf32, #tpu.memory_space<hbm>> -> memref<80x128xf32, #tpu.memory_space<hbm>>
    %dma_wait3A_615 = arith.constant 0 : i32
    %dma_wait3A_616 = arith.constant 0 : i32
    %dma_wait3A_617 = tpu.memref_slice %arg9[%dma_wait3A_615, %dma_wait3A_616] : memref<128x128xf32, #tpu.memory_space<vmem>> -> memref<80x128xf32, #tpu.memory_space<vmem>>
    tpu.wait_dma2 semaphore(%arg20 : memref<!tpu.dma_semaphore, #tpu.memory_space<semaphore_mem>>) src(%dma_wait3A_617 : memref<80x128xf32, #tpu.memory_space<vmem>>) dst(%dma_wait3A_614 : memref<80x128xf32, #tpu.memory_space<hbm>>)
    %dma_start3A_618 = arith.constant 2 : i32
    %dma_start3A_619 = arith.constant 0 : i32
    %dma_start3A_620 = arith.constant 0 : i32
    %dma_start3A_621 = tpu.memref_slice %arg9[%dma_start3A_619, %dma_start3A_620] : memref<128x128xf32, #tpu.memory_space<vmem>> -> memref<80x128xf32, #tpu.memory_space<vmem>>
    %dma_start3A_622 = arith.constant 0 : i32
    %dma_start3A_623 = tpu.memref_slice %arg8[%dma_start3A_618, %dma_start3A_622] : memref<8x80xi32, #tpu.memory_space<vmem>> -> memref<1x80xi32, #tpu.memory_space<vmem>>
    %dma_start3A_624 = tpu.memref_squeeze %dma_start3A_623 : memref<1x80xi32, #tpu.memory_space<vmem>> -> memref<80xi32, #tpu.memory_space<vmem>>
    %dma_start3A_625 = arith.constant 0 : i32
    %dma_start3A_626 = arith.constant 0 : i32
    %dma_start3A_627 = tpu.memref_slice %arg7[%dma_start3A_625, %dma_start3A_626] : memref<10000x128xf32, #tpu.memory_space<vmem_shared>> -> memref<10000x128xf32, #tpu.memory_space<vmem_shared>>
    tpu.enqueue_indirect_dma source(%dma_start3A_627 : memref<10000x128xf32, #tpu.memory_space<vmem_shared>>) target(%dma_start3A_621 : memref<80x128xf32, #tpu.memory_space<vmem>>) offsets(%dma_start3A_624 : memref<80xi32, #tpu.memory_space<vmem>>) semaphore(%arg18 : memref<!tpu.dma_semaphore, #tpu.memory_space<semaphore_mem>>)
    %dma_wait3A_628 = arith.constant 1 : i32
    %dma_wait3A_629 = arith.constant 0 : i32
    %dma_wait3A_630 = arith.constant 0 : i32
    %dma_wait3A_631 = tpu.memref_slice %arg10[%dma_wait3A_629, %dma_wait3A_630] : memref<128x128xf32, #tpu.memory_space<vmem>> -> memref<80x128xf32, #tpu.memory_space<vmem>>
    %dma_wait3A_632 = arith.constant 0 : i32
    %dma_wait3A_633 = tpu.memref_slice %arg8[%dma_wait3A_628, %dma_wait3A_632] : memref<8x80xi32, #tpu.memory_space<vmem>> -> memref<1x80xi32, #tpu.memory_space<vmem>>
    %dma_wait3A_634 = tpu.memref_squeeze %dma_wait3A_633 : memref<1x80xi32, #tpu.memory_space<vmem>> -> memref<80xi32, #tpu.memory_space<vmem>>
    %dma_wait3A_635 = arith.constant 0 : i32
    %dma_wait3A_636 = arith.constant 0 : i32
    %dma_wait3A_637 = tpu.memref_slice %arg7[%dma_wait3A_635, %dma_wait3A_636] : memref<10000x128xf32, #tpu.memory_space<vmem_shared>> -> memref<10000x128xf32, #tpu.memory_space<vmem_shared>>
    tpu.wait_indirect_dma semaphore(%arg19 : memref<!tpu.dma_semaphore, #tpu.memory_space<semaphore_mem>>) src(%dma_wait3A_637 : memref<10000x128xf32, #tpu.memory_space<vmem_shared>>) dst(%dma_wait3A_631 : memref<80x128xf32, #tpu.memory_space<vmem>>)
    %add3A_638 = arith.constant 16 : i32
    %add3A_639 = arith.addi %add3A_638, %arg1 : i32
    %mul3A_640 = arith.constant 80 : i32
    %mul3A_641 = arith.muli %add3A_639, %mul3A_640 : i32
    %multiple_of3A_642 = tpu.assume_multiple %mul3A_641, 8 : i32
    %dma_start3A_643 = arith.constant 0 : i32
    %dma_start3A_644 = arith.constant 0 : i32
    %dma_start3A_645 = tpu.memref_slice %arg10[%dma_start3A_643, %dma_start3A_644] : memref<128x128xf32, #tpu.memory_space<vmem>> -> memref<80x128xf32, #tpu.memory_space<vmem>>
    %dma_start3A_646 = arith.constant 0 : i32
    %dma_start3A_647 = tpu.memref_slice %arg5[%arg0, %multiple_of3A_642, %dma_start3A_646] : memref<2x10000x128xf32, #tpu.memory_space<hbm>> -> memref<1x80x128xf32, #tpu.memory_space<hbm>>
    %dma_start3A_648 = tpu.memref_squeeze %dma_start3A_647 : memref<1x80x128xf32, #tpu.memory_space<hbm>> -> memref<80x128xf32, #tpu.memory_space<hbm>>
    %dma_start3A_649 = arith.constant 0 : i32
    %dma_start3A_650 = tpu.memref_slice %arg5[%arg0, %multiple_of3A_642, %dma_start3A_649] : memref<2x10000x128xf32, #tpu.memory_space<hbm>> -> memref<1x80x128xf32, #tpu.memory_space<hbm>>
    %dma_start3A_651 = tpu.memref_squeeze %dma_start3A_650 : memref<1x80x128xf32, #tpu.memory_space<hbm>> -> memref<80x128xf32, #tpu.memory_space<hbm>>
    %dma_start3A_652 = arith.constant 0 : i32
    %dma_start3A_653 = arith.constant 0 : i32
    %dma_start3A_654 = tpu.memref_slice %arg10[%dma_start3A_652, %dma_start3A_653] : memref<128x128xf32, #tpu.memory_space<vmem>> -> memref<80x128xf32, #tpu.memory_space<vmem>>
    tpu.enqueue_dma source(%dma_start3A_654 : memref<80x128xf32, #tpu.memory_space<vmem>>) target(%dma_start3A_651 : memref<80x128xf32, #tpu.memory_space<hbm>>) target_semaphore(%arg21 : memref<!tpu.dma_semaphore, #tpu.memory_space<semaphore_mem>>)
    %add3A_655 = arith.constant 16 : i32
    %add3A_656 = arith.addi %add3A_655, %arg1 : i32
    %mul3A_657 = arith.constant 80 : i32
    %mul3A_658 = arith.muli %add3A_656, %mul3A_657 : i32
    %multiple_of3A_659 = tpu.assume_multiple %mul3A_658, 8 : i32
    %dma_wait3A_660 = arith.constant 0 : i32
    %dma_wait3A_661 = arith.constant 0 : i32
    %dma_wait3A_662 = tpu.memref_slice %arg10[%dma_wait3A_660, %dma_wait3A_661] : memref<128x128xf32, #tpu.memory_space<vmem>> -> memref<80x128xf32, #tpu.memory_space<vmem>>
    %dma_wait3A_663 = arith.constant 0 : i32
    %dma_wait3A_664 = tpu.memref_slice %arg5[%arg0, %multiple_of3A_659, %dma_wait3A_663] : memref<2x10000x128xf32, #tpu.memory_space<hbm>> -> memref<1x80x128xf32, #tpu.memory_space<hbm>>
    %dma_wait3A_665 = tpu.memref_squeeze %dma_wait3A_664 : memref<1x80x128xf32, #tpu.memory_space<hbm>> -> memref<80x128xf32, #tpu.memory_space<hbm>>
    %dma_wait3A_666 = arith.constant 0 : i32
    %dma_wait3A_667 = tpu.memref_slice %arg5[%arg0, %multiple_of3A_659, %dma_wait3A_666] : memref<2x10000x128xf32, #tpu.memory_space<hbm>> -> memref<1x80x128xf32, #tpu.memory_space<hbm>>
    %dma_wait3A_668 = tpu.memref_squeeze %dma_wait3A_667 : memref<1x80x128xf32, #tpu.memory_space<hbm>> -> memref<80x128xf32, #tpu.memory_space<hbm>>
    %dma_wait3A_669 = arith.constant 0 : i32
    %dma_wait3A_670 = arith.constant 0 : i32
    %dma_wait3A_671 = tpu.memref_slice %arg10[%dma_wait3A_669, %dma_wait3A_670] : memref<128x128xf32, #tpu.memory_space<vmem>> -> memref<80x128xf32, #tpu.memory_space<vmem>>
    tpu.wait_dma2 semaphore(%arg21 : memref<!tpu.dma_semaphore, #tpu.memory_space<semaphore_mem>>) src(%dma_wait3A_671 : memref<80x128xf32, #tpu.memory_space<vmem>>) dst(%dma_wait3A_668 : memref<80x128xf32, #tpu.memory_space<hbm>>)
    %dma_start3A_672 = arith.constant 3 : i32
    %dma_start3A_673 = arith.constant 0 : i32
    %dma_start3A_674 = arith.constant 0 : i32
    %dma_start3A_675 = tpu.memref_slice %arg10[%dma_start3A_673, %dma_start3A_674] : memref<128x128xf32, #tpu.memory_space<vmem>> -> memref<80x128xf32, #tpu.memory_space<vmem>>
    %dma_start3A_676 = arith.constant 0 : i32
    %dma_start3A_677 = tpu.memref_slice %arg8[%dma_start3A_672, %dma_start3A_676] : memref<8x80xi32, #tpu.memory_space<vmem>> -> memref<1x80xi32, #tpu.memory_space<vmem>>
    %dma_start3A_678 = tpu.memref_squeeze %dma_start3A_677 : memref<1x80xi32, #tpu.memory_space<vmem>> -> memref<80xi32, #tpu.memory_space<vmem>>
    %dma_start3A_679 = arith.constant 0 : i32
    %dma_start3A_680 = arith.constant 0 : i32
    %dma_start3A_681 = tpu.memref_slice %arg7[%dma_start3A_679, %dma_start3A_680] : memref<10000x128xf32, #tpu.memory_space<vmem_shared>> -> memref<10000x128xf32, #tpu.memory_space<vmem_shared>>
    tpu.enqueue_indirect_dma source(%dma_start3A_681 : memref<10000x128xf32, #tpu.memory_space<vmem_shared>>) target(%dma_start3A_675 : memref<80x128xf32, #tpu.memory_space<vmem>>) offsets(%dma_start3A_678 : memref<80xi32, #tpu.memory_space<vmem>>) semaphore(%arg19 : memref<!tpu.dma_semaphore, #tpu.memory_space<semaphore_mem>>)
    %dma_wait3A_682 = arith.constant 2 : i32
    %dma_wait3A_683 = arith.constant 0 : i32
    %dma_wait3A_684 = arith.constant 0 : i32
    %dma_wait3A_685 = tpu.memref_slice %arg9[%dma_wait3A_683, %dma_wait3A_684] : memref<128x128xf32, #tpu.memory_space<vmem>> -> memref<80x128xf32, #tpu.memory_space<vmem>>
    %dma_wait3A_686 = arith.constant 0 : i32
    %dma_wait3A_687 = tpu.memref_slice %arg8[%dma_wait3A_682, %dma_wait3A_686] : memref<8x80xi32, #tpu.memory_space<vmem>> -> memref<1x80xi32, #tpu.memory_space<vmem>>
    %dma_wait3A_688 = tpu.memref_squeeze %dma_wait3A_687 : memref<1x80xi32, #tpu.memory_space<vmem>> -> memref<80xi32, #tpu.memory_space<vmem>>
    %dma_wait3A_689 = arith.constant 0 : i32
    %dma_wait3A_690 = arith.constant 0 : i32
    %dma_wait3A_691 = tpu.memref_slice %arg7[%dma_wait3A_689, %dma_wait3A_690] : memref<10000x128xf32, #tpu.memory_space<vmem_shared>> -> memref<10000x128xf32, #tpu.memory_space<vmem_shared>>
    tpu.wait_indirect_dma semaphore(%arg18 : memref<!tpu.dma_semaphore, #tpu.memory_space<semaphore_mem>>) src(%dma_wait3A_691 : memref<10000x128xf32, #tpu.memory_space<vmem_shared>>) dst(%dma_wait3A_685 : memref<80x128xf32, #tpu.memory_space<vmem>>)
    %add3A_692 = arith.constant 32 : i32
    %add3A_693 = arith.addi %add3A_692, %arg1 : i32
    %mul3A_694 = arith.constant 80 : i32
    %mul3A_695 = arith.muli %add3A_693, %mul3A_694 : i32
    %multiple_of3A_696 = tpu.assume_multiple %mul3A_695, 8 : i32
    %dma_start3A_697 = arith.constant 0 : i32
    %dma_start3A_698 = arith.constant 0 : i32
    %dma_start3A_699 = tpu.memref_slice %arg9[%dma_start3A_697, %dma_start3A_698] : memref<128x128xf32, #tpu.memory_space<vmem>> -> memref<80x128xf32, #tpu.memory_space<vmem>>
    %dma_start3A_700 = arith.constant 0 : i32
    %dma_start3A_701 = tpu.memref_slice %arg5[%arg0, %multiple_of3A_696, %dma_start3A_700] : memref<2x10000x128xf32, #tpu.memory_space<hbm>> -> memref<1x80x128xf32, #tpu.memory_space<hbm>>
    %dma_start3A_702 = tpu.memref_squeeze %dma_start3A_701 : memref<1x80x128xf32, #tpu.memory_space<hbm>> -> memref<80x128xf32, #tpu.memory_space<hbm>>
    %dma_start3A_703 = arith.constant 0 : i32
    %dma_start3A_704 = tpu.memref_slice %arg5[%arg0, %multiple_of3A_696, %dma_start3A_703] : memref<2x10000x128xf32, #tpu.memory_space<hbm>> -> memref<1x80x128xf32, #tpu.memory_space<hbm>>
    %dma_start3A_705 = tpu.memref_squeeze %dma_start3A_704 : memref<1x80x128xf32, #tpu.memory_space<hbm>> -> memref<80x128xf32, #tpu.memory_space<hbm>>
    %dma_start3A_706 = arith.constant 0 : i32
    %dma_start3A_707 = arith.constant 0 : i32
    %dma_start3A_708 = tpu.memref_slice %arg9[%dma_start3A_706, %dma_start3A_707] : memref<128x128xf32, #tpu.memory_space<vmem>> -> memref<80x128xf32, #tpu.memory_space<vmem>>
    tpu.enqueue_dma source(%dma_start3A_708 : memref<80x128xf32, #tpu.memory_space<vmem>>) target(%dma_start3A_705 : memref<80x128xf32, #tpu.memory_space<hbm>>) target_semaphore(%arg20 : memref<!tpu.dma_semaphore, #tpu.memory_space<semaphore_mem>>)
    %add3A_709 = arith.constant 32 : i32
    %add3A_710 = arith.addi %add3A_709, %arg1 : i32
    %mul3A_711 = arith.constant 80 : i32
    %mul3A_712 = arith.muli %add3A_710, %mul3A_711 : i32
    %multiple_of3A_713 = tpu.assume_multiple %mul3A_712, 8 : i32
    %dma_wait3A_714 = arith.constant 0 : i32
    %dma_wait3A_715 = arith.constant 0 : i32
    %dma_wait3A_716 = tpu.memref_slice %arg9[%dma_wait3A_714, %dma_wait3A_715] : memref<128x128xf32, #tpu.memory_space<vmem>> -> memref<80x128xf32, #tpu.memory_space<vmem>>
    %dma_wait3A_717 = arith.constant 0 : i32
    %dma_wait3A_718 = tpu.memref_slice %arg5[%arg0, %multiple_of3A_713, %dma_wait3A_717] : memref<2x10000x128xf32, #tpu.memory_space<hbm>> -> memref<1x80x128xf32, #tpu.memory_space<hbm>>
    %dma_wait3A_719 = tpu.memref_squeeze %dma_wait3A_718 : memref<1x80x128xf32, #tpu.memory_space<hbm>> -> memref<80x128xf32, #tpu.memory_space<hbm>>
    %dma_wait3A_720 = arith.constant 0 : i32
    %dma_wait3A_721 = tpu.memref_slice %arg5[%arg0, %multiple_of3A_713, %dma_wait3A_720] : memref<2x10000x128xf32, #tpu.memory_space<hbm>> -> memref<1x80x128xf32, #tpu.memory_space<hbm>>
    %dma_wait3A_722 = tpu.memref_squeeze %dma_wait3A_721 : memref<1x80x128xf32, #tpu.memory_space<hbm>> -> memref<80x128xf32, #tpu.memory_space<hbm>>
    %dma_wait3A_723 = arith.constant 0 : i32
    %dma_wait3A_724 = arith.constant 0 : i32
    %dma_wait3A_725 = tpu.memref_slice %arg9[%dma_wait3A_723, %dma_wait3A_724] : memref<128x128xf32, #tpu.memory_space<vmem>> -> memref<80x128xf32, #tpu.memory_space<vmem>>
    tpu.wait_dma2 semaphore(%arg20 : memref<!tpu.dma_semaphore, #tpu.memory_space<semaphore_mem>>) src(%dma_wait3A_725 : memref<80x128xf32, #tpu.memory_space<vmem>>) dst(%dma_wait3A_722 : memref<80x128xf32, #tpu.memory_space<hbm>>)
    %dma_start3A_726 = arith.constant 4 : i32
    %dma_start3A_727 = arith.constant 0 : i32
    %dma_start3A_728 = arith.constant 0 : i32
    %dma_start3A_729 = tpu.memref_slice %arg9[%dma_start3A_727, %dma_start3A_728] : memref<128x128xf32, #tpu.memory_space<vmem>> -> memref<80x128xf32, #tpu.memory_space<vmem>>
    %dma_start3A_730 = arith.constant 0 : i32
    %dma_start3A_731 = tpu.memref_slice %arg8[%dma_start3A_726, %dma_start3A_730] : memref<8x80xi32, #tpu.memory_space<vmem>> -> memref<1x80xi32, #tpu.memory_space<vmem>>
    %dma_start3A_732 = tpu.memref_squeeze %dma_start3A_731 : memref<1x80xi32, #tpu.memory_space<vmem>> -> memref<80xi32, #tpu.memory_space<vmem>>
    %dma_start3A_733 = arith.constant 0 : i32
    %dma_start3A_734 = arith.constant 0 : i32
    %dma_start3A_735 = tpu.memref_slice %arg7[%dma_start3A_733, %dma_start3A_734] : memref<10000x128xf32, #tpu.memory_space<vmem_shared>> -> memref<10000x128xf32, #tpu.memory_space<vmem_shared>>
    tpu.enqueue_indirect_dma source(%dma_start3A_735 : memref<10000x128xf32, #tpu.memory_space<vmem_shared>>) target(%dma_start3A_729 : memref<80x128xf32, #tpu.memory_space<vmem>>) offsets(%dma_start3A_732 : memref<80xi32, #tpu.memory_space<vmem>>) semaphore(%arg18 : memref<!tpu.dma_semaphore, #tpu.memory_space<semaphore_mem>>)
    %dma_wait3A_736 = arith.constant 3 : i32
    %dma_wait3A_737 = arith.constant 0 : i32
    %dma_wait3A_738 = arith.constant 0 : i32
    %dma_wait3A_739 = tpu.memref_slice %arg10[%dma_wait3A_737, %dma_wait3A_738] : memref<128x128xf32, #tpu.memory_space<vmem>> -> memref<80x128xf32, #tpu.memory_space<vmem>>
    %dma_wait3A_740 = arith.constant 0 : i32
    %dma_wait3A_741 = tpu.memref_slice %arg8[%dma_wait3A_736, %dma_wait3A_740] : memref<8x80xi32, #tpu.memory_space<vmem>> -> memref<1x80xi32, #tpu.memory_space<vmem>>
    %dma_wait3A_742 = tpu.memref_squeeze %dma_wait3A_741 : memref<1x80xi32, #tpu.memory_space<vmem>> -> memref<80xi32, #tpu.memory_space<vmem>>
    %dma_wait3A_743 = arith.constant 0 : i32
    %dma_wait3A_744 = arith.constant 0 : i32
    %dma_wait3A_745 = tpu.memref_slice %arg7[%dma_wait3A_743, %dma_wait3A_744] : memref<10000x128xf32, #tpu.memory_space<vmem_shared>> -> memref<10000x128xf32, #tpu.memory_space<vmem_shared>>
    tpu.wait_indirect_dma semaphore(%arg19 : memref<!tpu.dma_semaphore, #tpu.memory_space<semaphore_mem>>) src(%dma_wait3A_745 : memref<10000x128xf32, #tpu.memory_space<vmem_shared>>) dst(%dma_wait3A_739 : memref<80x128xf32, #tpu.memory_space<vmem>>)
    %add3A_746 = arith.constant 48 : i32
    %add3A_747 = arith.addi %add3A_746, %arg1 : i32
    %mul3A_748 = arith.constant 80 : i32
    %mul3A_749 = arith.muli %add3A_747, %mul3A_748 : i32
    %multiple_of3A_750 = tpu.assume_multiple %mul3A_749, 8 : i32
    %dma_start3A_751 = arith.constant 0 : i32
    %dma_start3A_752 = arith.constant 0 : i32
    %dma_start3A_753 = tpu.memref_slice %arg10[%dma_start3A_751, %dma_start3A_752] : memref<128x128xf32, #tpu.memory_space<vmem>> -> memref<80x128xf32, #tpu.memory_space<vmem>>
    %dma_start3A_754 = arith.constant 0 : i32
    %dma_start3A_755 = tpu.memref_slice %arg5[%arg0, %multiple_of3A_750, %dma_start3A_754] : memref<2x10000x128xf32, #tpu.memory_space<hbm>> -> memref<1x80x128xf32, #tpu.memory_space<hbm>>
    %dma_start3A_756 = tpu.memref_squeeze %dma_start3A_755 : memref<1x80x128xf32, #tpu.memory_space<hbm>> -> memref<80x128xf32, #tpu.memory_space<hbm>>
    %dma_start3A_757 = arith.constant 0 : i32
    %dma_start3A_758 = tpu.memref_slice %arg5[%arg0, %multiple_of3A_750, %dma_start3A_757] : memref<2x10000x128xf32, #tpu.memory_space<hbm>> -> memref<1x80x128xf32, #tpu.memory_space<hbm>>
    %dma_start3A_759 = tpu.memref_squeeze %dma_start3A_758 : memref<1x80x128xf32, #tpu.memory_space<hbm>> -> memref<80x128xf32, #tpu.memory_space<hbm>>
    %dma_start3A_760 = arith.constant 0 : i32
    %dma_start3A_761 = arith.constant 0 : i32
    %dma_start3A_762 = tpu.memref_slice %arg10[%dma_start3A_760, %dma_start3A_761] : memref<128x128xf32, #tpu.memory_space<vmem>> -> memref<80x128xf32, #tpu.memory_space<vmem>>
    tpu.enqueue_dma source(%dma_start3A_762 : memref<80x128xf32, #tpu.memory_space<vmem>>) target(%dma_start3A_759 : memref<80x128xf32, #tpu.memory_space<hbm>>) target_semaphore(%arg21 : memref<!tpu.dma_semaphore, #tpu.memory_space<semaphore_mem>>)
    %add3A_763 = arith.constant 48 : i32
    %add3A_764 = arith.addi %add3A_763, %arg1 : i32
    %mul3A_765 = arith.constant 80 : i32
    %mul3A_766 = arith.muli %add3A_764, %mul3A_765 : i32
    %multiple_of3A_767 = tpu.assume_multiple %mul3A_766, 8 : i32
    %dma_wait3A_768 = arith.constant 0 : i32
    %dma_wait3A_769 = arith.constant 0 : i32
    %dma_wait3A_770 = tpu.memref_slice %arg10[%dma_wait3A_768, %dma_wait3A_769] : memref<128x128xf32, #tpu.memory_space<vmem>> -> memref<80x128xf32, #tpu.memory_space<vmem>>
    %dma_wait3A_771 = arith.constant 0 : i32
    %dma_wait3A_772 = tpu.memref_slice %arg5[%arg0, %multiple_of3A_767, %dma_wait3A_771] : memref<2x10000x128xf32, #tpu.memory_space<hbm>> -> memref<1x80x128xf32, #tpu.memory_space<hbm>>
    %dma_wait3A_773 = tpu.memref_squeeze %dma_wait3A_772 : memref<1x80x128xf32, #tpu.memory_space<hbm>> -> memref<80x128xf32, #tpu.memory_space<hbm>>
    %dma_wait3A_774 = arith.constant 0 : i32
    %dma_wait3A_775 = tpu.memref_slice %arg5[%arg0, %multiple_of3A_767, %dma_wait3A_774] : memref<2x10000x128xf32, #tpu.memory_space<hbm>> -> memref<1x80x128xf32, #tpu.memory_space<hbm>>
    %dma_wait3A_776 = tpu.memref_squeeze %dma_wait3A_775 : memref<1x80x128xf32, #tpu.memory_space<hbm>> -> memref<80x128xf32, #tpu.memory_space<hbm>>
    %dma_wait3A_777 = arith.constant 0 : i32
    %dma_wait3A_778 = arith.constant 0 : i32
    %dma_wait3A_779 = tpu.memref_slice %arg10[%dma_wait3A_777, %dma_wait3A_778] : memref<128x128xf32, #tpu.memory_space<vmem>> -> memref<80x128xf32, #tpu.memory_space<vmem>>
    tpu.wait_dma2 semaphore(%arg21 : memref<!tpu.dma_semaphore, #tpu.memory_space<semaphore_mem>>) src(%dma_wait3A_779 : memref<80x128xf32, #tpu.memory_space<vmem>>) dst(%dma_wait3A_776 : memref<80x128xf32, #tpu.memory_space<hbm>>)
    %dma_start3A_780 = arith.constant 5 : i32
    %dma_start3A_781 = arith.constant 0 : i32
    %dma_start3A_782 = arith.constant 0 : i32
    %dma_start3A_783 = tpu.memref_slice %arg10[%dma_start3A_781, %dma_start3A_782] : memref<128x128xf32, #tpu.memory_space<vmem>> -> memref<80x128xf32, #tpu.memory_space<vmem>>
    %dma_start3A_784 = arith.constant 0 : i32
    %dma_start3A_785 = tpu.memref_slice %arg8[%dma_start3A_780, %dma_start3A_784] : memref<8x80xi32, #tpu.memory_space<vmem>> -> memref<1x80xi32, #tpu.memory_space<vmem>>
    %dma_start3A_786 = tpu.memref_squeeze %dma_start3A_785 : memref<1x80xi32, #tpu.memory_space<vmem>> -> memref<80xi32, #tpu.memory_space<vmem>>
    %dma_start3A_787 = arith.constant 0 : i32
    %dma_start3A_788 = arith.constant 0 : i32
    %dma_start3A_789 = tpu.memref_slice %arg7[%dma_start3A_787, %dma_start3A_788] : memref<10000x128xf32, #tpu.memory_space<vmem_shared>> -> memref<10000x128xf32, #tpu.memory_space<vmem_shared>>
    tpu.enqueue_indirect_dma source(%dma_start3A_789 : memref<10000x128xf32, #tpu.memory_space<vmem_shared>>) target(%dma_start3A_783 : memref<80x128xf32, #tpu.memory_space<vmem>>) offsets(%dma_start3A_786 : memref<80xi32, #tpu.memory_space<vmem>>) semaphore(%arg19 : memref<!tpu.dma_semaphore, #tpu.memory_space<semaphore_mem>>)
    %dma_wait3A_790 = arith.constant 4 : i32
    %dma_wait3A_791 = arith.constant 0 : i32
    %dma_wait3A_792 = arith.constant 0 : i32
    %dma_wait3A_793 = tpu.memref_slice %arg9[%dma_wait3A_791, %dma_wait3A_792] : memref<128x128xf32, #tpu.memory_space<vmem>> -> memref<80x128xf32, #tpu.memory_space<vmem>>
    %dma_wait3A_794 = arith.constant 0 : i32
    %dma_wait3A_795 = tpu.memref_slice %arg8[%dma_wait3A_790, %dma_wait3A_794] : memref<8x80xi32, #tpu.memory_space<vmem>> -> memref<1x80xi32, #tpu.memory_space<vmem>>
    %dma_wait3A_796 = tpu.memref_squeeze %dma_wait3A_795 : memref<1x80xi32, #tpu.memory_space<vmem>> -> memref<80xi32, #tpu.memory_space<vmem>>
    %dma_wait3A_797 = arith.constant 0 : i32
    %dma_wait3A_798 = arith.constant 0 : i32
    %dma_wait3A_799 = tpu.memref_slice %arg7[%dma_wait3A_797, %dma_wait3A_798] : memref<10000x128xf32, #tpu.memory_space<vmem_shared>> -> memref<10000x128xf32, #tpu.memory_space<vmem_shared>>
    tpu.wait_indirect_dma semaphore(%arg18 : memref<!tpu.dma_semaphore, #tpu.memory_space<semaphore_mem>>) src(%dma_wait3A_799 : memref<10000x128xf32, #tpu.memory_space<vmem_shared>>) dst(%dma_wait3A_793 : memref<80x128xf32, #tpu.memory_space<vmem>>)
    %add3A_800 = arith.constant 64 : i32
    %add3A_801 = arith.addi %add3A_800, %arg1 : i32
    %mul3A_802 = arith.constant 80 : i32
    %mul3A_803 = arith.muli %add3A_801, %mul3A_802 : i32
    %multiple_of3A_804 = tpu.assume_multiple %mul3A_803, 8 : i32
    %dma_start3A_805 = arith.constant 0 : i32
    %dma_start3A_806 = arith.constant 0 : i32
    %dma_start3A_807 = tpu.memref_slice %arg9[%dma_start3A_805, %dma_start3A_806] : memref<128x128xf32, #tpu.memory_space<vmem>> -> memref<80x128xf32, #tpu.memory_space<vmem>>
    %dma_start3A_808 = arith.constant 0 : i32
    %dma_start3A_809 = tpu.memref_slice %arg5[%arg0, %multiple_of3A_804, %dma_start3A_808] : memref<2x10000x128xf32, #tpu.memory_space<hbm>> -> memref<1x80x128xf32, #tpu.memory_space<hbm>>
    %dma_start3A_810 = tpu.memref_squeeze %dma_start3A_809 : memref<1x80x128xf32, #tpu.memory_space<hbm>> -> memref<80x128xf32, #tpu.memory_space<hbm>>
    %dma_start3A_811 = arith.constant 0 : i32
    %dma_start3A_812 = tpu.memref_slice %arg5[%arg0, %multiple_of3A_804, %dma_start3A_811] : memref<2x10000x128xf32, #tpu.memory_space<hbm>> -> memref<1x80x128xf32, #tpu.memory_space<hbm>>
    %dma_start3A_813 = tpu.memref_squeeze %dma_start3A_812 : memref<1x80x128xf32, #tpu.memory_space<hbm>> -> memref<80x128xf32, #tpu.memory_space<hbm>>
    %dma_start3A_814 = arith.constant 0 : i32
    %dma_start3A_815 = arith.constant 0 : i32
    %dma_start3A_816 = tpu.memref_slice %arg9[%dma_start3A_814, %dma_start3A_815] : memref<128x128xf32, #tpu.memory_space<vmem>> -> memref<80x128xf32, #tpu.memory_space<vmem>>
    tpu.enqueue_dma source(%dma_start3A_816 : memref<80x128xf32, #tpu.memory_space<vmem>>) target(%dma_start3A_813 : memref<80x128xf32, #tpu.memory_space<hbm>>) target_semaphore(%arg20 : memref<!tpu.dma_semaphore, #tpu.memory_space<semaphore_mem>>)
    %add3A_817 = arith.constant 64 : i32
    %add3A_818 = arith.addi %add3A_817, %arg1 : i32
    %mul3A_819 = arith.constant 80 : i32
    %mul3A_820 = arith.muli %add3A_818, %mul3A_819 : i32
    %multiple_of3A_821 = tpu.assume_multiple %mul3A_820, 8 : i32
    %dma_wait3A_822 = arith.constant 0 : i32
    %dma_wait3A_823 = arith.constant 0 : i32
    %dma_wait3A_824 = tpu.memref_slice %arg9[%dma_wait3A_822, %dma_wait3A_823] : memref<128x128xf32, #tpu.memory_space<vmem>> -> memref<80x128xf32, #tpu.memory_space<vmem>>
    %dma_wait3A_825 = arith.constant 0 : i32
    %dma_wait3A_826 = tpu.memref_slice %arg5[%arg0, %multiple_of3A_821, %dma_wait3A_825] : memref<2x10000x128xf32, #tpu.memory_space<hbm>> -> memref<1x80x128xf32, #tpu.memory_space<hbm>>
    %dma_wait3A_827 = tpu.memref_squeeze %dma_wait3A_826 : memref<1x80x128xf32, #tpu.memory_space<hbm>> -> memref<80x128xf32, #tpu.memory_space<hbm>>
    %dma_wait3A_828 = arith.constant 0 : i32
    %dma_wait3A_829 = tpu.memref_slice %arg5[%arg0, %multiple_of3A_821, %dma_wait3A_828] : memref<2x10000x128xf32, #tpu.memory_space<hbm>> -> memref<1x80x128xf32, #tpu.memory_space<hbm>>
    %dma_wait3A_830 = tpu.memref_squeeze %dma_wait3A_829 : memref<1x80x128xf32, #tpu.memory_space<hbm>> -> memref<80x128xf32, #tpu.memory_space<hbm>>
    %dma_wait3A_831 = arith.constant 0 : i32
    %dma_wait3A_832 = arith.constant 0 : i32
    %dma_wait3A_833 = tpu.memref_slice %arg9[%dma_wait3A_831, %dma_wait3A_832] : memref<128x128xf32, #tpu.memory_space<vmem>> -> memref<80x128xf32, #tpu.memory_space<vmem>>
    tpu.wait_dma2 semaphore(%arg20 : memref<!tpu.dma_semaphore, #tpu.memory_space<semaphore_mem>>) src(%dma_wait3A_833 : memref<80x128xf32, #tpu.memory_space<vmem>>) dst(%dma_wait3A_830 : memref<80x128xf32, #tpu.memory_space<hbm>>)
    %dma_start3A_834 = arith.constant 6 : i32
    %dma_start3A_835 = arith.constant 0 : i32
    %dma_start3A_836 = arith.constant 0 : i32
    %dma_start3A_837 = tpu.memref_slice %arg9[%dma_start3A_835, %dma_start3A_836] : memref<128x128xf32, #tpu.memory_space<vmem>> -> memref<80x128xf32, #tpu.memory_space<vmem>>
    %dma_start3A_838 = arith.constant 0 : i32
    %dma_start3A_839 = tpu.memref_slice %arg8[%dma_start3A_834, %dma_start3A_838] : memref<8x80xi32, #tpu.memory_space<vmem>> -> memref<1x80xi32, #tpu.memory_space<vmem>>
    %dma_start3A_840 = tpu.memref_squeeze %dma_start3A_839 : memref<1x80xi32, #tpu.memory_space<vmem>> -> memref<80xi32, #tpu.memory_space<vmem>>
    %dma_start3A_841 = arith.constant 0 : i32
    %dma_start3A_842 = arith.constant 0 : i32
    %dma_start3A_843 = tpu.memref_slice %arg7[%dma_start3A_841, %dma_start3A_842] : memref<10000x128xf32, #tpu.memory_space<vmem_shared>> -> memref<10000x128xf32, #tpu.memory_space<vmem_shared>>
    tpu.enqueue_indirect_dma source(%dma_start3A_843 : memref<10000x128xf32, #tpu.memory_space<vmem_shared>>) target(%dma_start3A_837 : memref<80x128xf32, #tpu.memory_space<vmem>>) offsets(%dma_start3A_840 : memref<80xi32, #tpu.memory_space<vmem>>) semaphore(%arg18 : memref<!tpu.dma_semaphore, #tpu.memory_space<semaphore_mem>>)
    %dma_wait3A_844 = arith.constant 5 : i32
    %dma_wait3A_845 = arith.constant 0 : i32
    %dma_wait3A_846 = arith.constant 0 : i32
    %dma_wait3A_847 = tpu.memref_slice %arg10[%dma_wait3A_845, %dma_wait3A_846] : memref<128x128xf32, #tpu.memory_space<vmem>> -> memref<80x128xf32, #tpu.memory_space<vmem>>
    %dma_wait3A_848 = arith.constant 0 : i32
    %dma_wait3A_849 = tpu.memref_slice %arg8[%dma_wait3A_844, %dma_wait3A_848] : memref<8x80xi32, #tpu.memory_space<vmem>> -> memref<1x80xi32, #tpu.memory_space<vmem>>
    %dma_wait3A_850 = tpu.memref_squeeze %dma_wait3A_849 : memref<1x80xi32, #tpu.memory_space<vmem>> -> memref<80xi32, #tpu.memory_space<vmem>>
    %dma_wait3A_851 = arith.constant 0 : i32
    %dma_wait3A_852 = arith.constant 0 : i32
    %dma_wait3A_853 = tpu.memref_slice %arg7[%dma_wait3A_851, %dma_wait3A_852] : memref<10000x128xf32, #tpu.memory_space<vmem_shared>> -> memref<10000x128xf32, #tpu.memory_space<vmem_shared>>
    tpu.wait_indirect_dma semaphore(%arg19 : memref<!tpu.dma_semaphore, #tpu.memory_space<semaphore_mem>>) src(%dma_wait3A_853 : memref<10000x128xf32, #tpu.memory_space<vmem_shared>>) dst(%dma_wait3A_847 : memref<80x128xf32, #tpu.memory_space<vmem>>)
    %add3A_854 = arith.constant 80 : i32
    %add3A_855 = arith.addi %add3A_854, %arg1 : i32
    %mul3A_856 = arith.constant 80 : i32
    %mul3A_857 = arith.muli %add3A_855, %mul3A_856 : i32
    %multiple_of3A_858 = tpu.assume_multiple %mul3A_857, 8 : i32
    %dma_start3A_859 = arith.constant 0 : i32
    %dma_start3A_860 = arith.constant 0 : i32
    %dma_start3A_861 = tpu.memref_slice %arg10[%dma_start3A_859, %dma_start3A_860] : memref<128x128xf32, #tpu.memory_space<vmem>> -> memref<80x128xf32, #tpu.memory_space<vmem>>
    %dma_start3A_862 = arith.constant 0 : i32
    %dma_start3A_863 = tpu.memref_slice %arg5[%arg0, %multiple_of3A_858, %dma_start3A_862] : memref<2x10000x128xf32, #tpu.memory_space<hbm>> -> memref<1x80x128xf32, #tpu.memory_space<hbm>>
    %dma_start3A_864 = tpu.memref_squeeze %dma_start3A_863 : memref<1x80x128xf32, #tpu.memory_space<hbm>> -> memref<80x128xf32, #tpu.memory_space<hbm>>
    %dma_start3A_865 = arith.constant 0 : i32
    %dma_start3A_866 = tpu.memref_slice %arg5[%arg0, %multiple_of3A_858, %dma_start3A_865] : memref<2x10000x128xf32, #tpu.memory_space<hbm>> -> memref<1x80x128xf32, #tpu.memory_space<hbm>>
    %dma_start3A_867 = tpu.memref_squeeze %dma_start3A_866 : memref<1x80x128xf32, #tpu.memory_space<hbm>> -> memref<80x128xf32, #tpu.memory_space<hbm>>
    %dma_start3A_868 = arith.constant 0 : i32
    %dma_start3A_869 = arith.constant 0 : i32
    %dma_start3A_870 = tpu.memref_slice %arg10[%dma_start3A_868, %dma_start3A_869] : memref<128x128xf32, #tpu.memory_space<vmem>> -> memref<80x128xf32, #tpu.memory_space<vmem>>
    tpu.enqueue_dma source(%dma_start3A_870 : memref<80x128xf32, #tpu.memory_space<vmem>>) target(%dma_start3A_867 : memref<80x128xf32, #tpu.memory_space<hbm>>) target_semaphore(%arg21 : memref<!tpu.dma_semaphore, #tpu.memory_space<semaphore_mem>>)
    %add3A_871 = arith.constant 112 : i32
    %add3A_872 = arith.addi %add3A_871, %arg1 : i32
    %lt3A_873 = arith.constant 125 : i32
    %lt3A_874 = arith.cmpi slt, %add3A_872, %lt3A_873 : i32
    %convert_element_type3A_875 = arith.extui %lt3A_874 : i1 to i32
    %cond3A_876 = arith.constant 0 : i32
    %cond3A_877 = arith.cmpi ne, %convert_element_type3A_875, %cond3A_876 : i32
    scf.if %cond3A_877 {
      %add3A_949 = arith.constant 80 : i32
      %add3A_950 = arith.addi %add3A_949, %arg1 : i32
      %mul3A_951 = arith.constant 80 : i32
      %mul3A_952 = arith.muli %add3A_950, %mul3A_951 : i32
      %multiple_of3A_953 = tpu.assume_multiple %mul3A_952, 8 : i32
      %dma_wait3A_954 = arith.constant 0 : i32
      %dma_wait3A_955 = arith.constant 0 : i32
      %dma_wait3A_956 = tpu.memref_slice %arg10[%dma_wait3A_954, %dma_wait3A_955] : memref<128x128xf32, #tpu.memory_space<vmem>> -> memref<80x128xf32, #tpu.memory_space<vmem>>
      %dma_wait3A_957 = arith.constant 0 : i32
      %dma_wait3A_958 = tpu.memref_slice %arg5[%arg0, %multiple_of3A_953, %dma_wait3A_957] : memref<2x10000x128xf32, #tpu.memory_space<hbm>> -> memref<1x80x128xf32, #tpu.memory_space<hbm>>
      %dma_wait3A_959 = tpu.memref_squeeze %dma_wait3A_958 : memref<1x80x128xf32, #tpu.memory_space<hbm>> -> memref<80x128xf32, #tpu.memory_space<hbm>>
      %dma_wait3A_960 = arith.constant 0 : i32
      %dma_wait3A_961 = tpu.memref_slice %arg5[%arg0, %multiple_of3A_953, %dma_wait3A_960] : memref<2x10000x128xf32, #tpu.memory_space<hbm>> -> memref<1x80x128xf32, #tpu.memory_space<hbm>>
      %dma_wait3A_962 = tpu.memref_squeeze %dma_wait3A_961 : memref<1x80x128xf32, #tpu.memory_space<hbm>> -> memref<80x128xf32, #tpu.memory_space<hbm>>
      %dma_wait3A_963 = arith.constant 0 : i32
      %dma_wait3A_964 = arith.constant 0 : i32
      %dma_wait3A_965 = tpu.memref_slice %arg10[%dma_wait3A_963, %dma_wait3A_964] : memref<128x128xf32, #tpu.memory_space<vmem>> -> memref<80x128xf32, #tpu.memory_space<vmem>>
      tpu.wait_dma2 semaphore(%arg21 : memref<!tpu.dma_semaphore, #tpu.memory_space<semaphore_mem>>) src(%dma_wait3A_965 : memref<80x128xf32, #tpu.memory_space<vmem>>) dst(%dma_wait3A_962 : memref<80x128xf32, #tpu.memory_space<hbm>>)
      %dma_start3A_966 = arith.constant 7 : i32
      %dma_start3A_967 = arith.constant 0 : i32
      %dma_start3A_968 = arith.constant 0 : i32
      %dma_start3A_969 = tpu.memref_slice %arg10[%dma_start3A_967, %dma_start3A_968] : memref<128x128xf32, #tpu.memory_space<vmem>> -> memref<80x128xf32, #tpu.memory_space<vmem>>
      %dma_start3A_970 = arith.constant 0 : i32
      %dma_start3A_971 = tpu.memref_slice %arg8[%dma_start3A_966, %dma_start3A_970] : memref<8x80xi32, #tpu.memory_space<vmem>> -> memref<1x80xi32, #tpu.memory_space<vmem>>
      %dma_start3A_972 = tpu.memref_squeeze %dma_start3A_971 : memref<1x80xi32, #tpu.memory_space<vmem>> -> memref<80xi32, #tpu.memory_space<vmem>>
      %dma_start3A_973 = arith.constant 0 : i32
      %dma_start3A_974 = arith.constant 0 : i32
      %dma_start3A_975 = tpu.memref_slice %arg7[%dma_start3A_973, %dma_start3A_974] : memref<10000x128xf32, #tpu.memory_space<vmem_shared>> -> memref<10000x128xf32, #tpu.memory_space<vmem_shared>>
      tpu.enqueue_indirect_dma source(%dma_start3A_975 : memref<10000x128xf32, #tpu.memory_space<vmem_shared>>) target(%dma_start3A_969 : memref<80x128xf32, #tpu.memory_space<vmem>>) offsets(%dma_start3A_972 : memref<80xi32, #tpu.memory_space<vmem>>) semaphore(%arg19 : memref<!tpu.dma_semaphore, #tpu.memory_space<semaphore_mem>>)
    } else {
    }
    %dma_wait3A_878 = arith.constant 6 : i32
    %dma_wait3A_879 = arith.constant 0 : i32
    %dma_wait3A_880 = arith.constant 0 : i32
    %dma_wait3A_881 = tpu.memref_slice %arg9[%dma_wait3A_879, %dma_wait3A_880] : memref<128x128xf32, #tpu.memory_space<vmem>> -> memref<80x128xf32, #tpu.memory_space<vmem>>
    %dma_wait3A_882 = arith.constant 0 : i32
    %dma_wait3A_883 = tpu.memref_slice %arg8[%dma_wait3A_878, %dma_wait3A_882] : memref<8x80xi32, #tpu.memory_space<vmem>> -> memref<1x80xi32, #tpu.memory_space<vmem>>
    %dma_wait3A_884 = tpu.memref_squeeze %dma_wait3A_883 : memref<1x80xi32, #tpu.memory_space<vmem>> -> memref<80xi32, #tpu.memory_space<vmem>>
    %dma_wait3A_885 = arith.constant 0 : i32
    %dma_wait3A_886 = arith.constant 0 : i32
    %dma_wait3A_887 = tpu.memref_slice %arg7[%dma_wait3A_885, %dma_wait3A_886] : memref<10000x128xf32, #tpu.memory_space<vmem_shared>> -> memref<10000x128xf32, #tpu.memory_space<vmem_shared>>
    tpu.wait_indirect_dma semaphore(%arg18 : memref<!tpu.dma_semaphore, #tpu.memory_space<semaphore_mem>>) src(%dma_wait3A_887 : memref<10000x128xf32, #tpu.memory_space<vmem_shared>>) dst(%dma_wait3A_881 : memref<80x128xf32, #tpu.memory_space<vmem>>)
    %add3A_888 = arith.constant 96 : i32
    %add3A_889 = arith.addi %add3A_888, %arg1 : i32
    %mul3A_890 = arith.constant 80 : i32
    %mul3A_891 = arith.muli %add3A_889, %mul3A_890 : i32
    %multiple_of3A_892 = tpu.assume_multiple %mul3A_891, 8 : i32
    %dma_start3A_893 = arith.constant 0 : i32
    %dma_start3A_894 = arith.constant 0 : i32
    %dma_start3A_895 = tpu.memref_slice %arg9[%dma_start3A_893, %dma_start3A_894] : memref<128x128xf32, #tpu.memory_space<vmem>> -> memref<80x128xf32, #tpu.memory_space<vmem>>
    %dma_start3A_896 = arith.constant 0 : i32
    %dma_start3A_897 = tpu.memref_slice %arg5[%arg0, %multiple_of3A_892, %dma_start3A_896] : memref<2x10000x128xf32, #tpu.memory_space<hbm>> -> memref<1x80x128xf32, #tpu.memory_space<hbm>>
    %dma_start3A_898 = tpu.memref_squeeze %dma_start3A_897 : memref<1x80x128xf32, #tpu.memory_space<hbm>> -> memref<80x128xf32, #tpu.memory_space<hbm>>
    %dma_start3A_899 = arith.constant 0 : i32
    %dma_start3A_900 = tpu.memref_slice %arg5[%arg0, %multiple_of3A_892, %dma_start3A_899] : memref<2x10000x128xf32, #tpu.memory_space<hbm>> -> memref<1x80x128xf32, #tpu.memory_space<hbm>>
    %dma_start3A_901 = tpu.memref_squeeze %dma_start3A_900 : memref<1x80x128xf32, #tpu.memory_space<hbm>> -> memref<80x128xf32, #tpu.memory_space<hbm>>
    %dma_start3A_902 = arith.constant 0 : i32
    %dma_start3A_903 = arith.constant 0 : i32
    %dma_start3A_904 = tpu.memref_slice %arg9[%dma_start3A_902, %dma_start3A_903] : memref<128x128xf32, #tpu.memory_space<vmem>> -> memref<80x128xf32, #tpu.memory_space<vmem>>
    tpu.enqueue_dma source(%dma_start3A_904 : memref<80x128xf32, #tpu.memory_space<vmem>>) target(%dma_start3A_901 : memref<80x128xf32, #tpu.memory_space<hbm>>) target_semaphore(%arg20 : memref<!tpu.dma_semaphore, #tpu.memory_space<semaphore_mem>>)
    %add3A_905 = arith.constant 112 : i32
    %add3A_906 = arith.addi %add3A_905, %arg1 : i32
    %lt3A_907 = arith.constant 125 : i32
    %lt3A_908 = arith.cmpi slt, %add3A_906, %lt3A_907 : i32
    %convert_element_type3A_909 = arith.extui %lt3A_908 : i1 to i32
    %cond3A_910 = arith.constant 0 : i32
    %cond3A_911 = arith.cmpi ne, %convert_element_type3A_909, %cond3A_910 : i32
    scf.if %cond3A_911 {
      %dma_wait3A_949 = arith.constant 7 : i32
      %dma_wait3A_950 = arith.constant 0 : i32
      %dma_wait3A_951 = arith.constant 0 : i32
      %dma_wait3A_952 = tpu.memref_slice %arg10[%dma_wait3A_950, %dma_wait3A_951] : memref<128x128xf32, #tpu.memory_space<vmem>> -> memref<80x128xf32, #tpu.memory_space<vmem>>
      %dma_wait3A_953 = arith.constant 0 : i32
      %dma_wait3A_954 = tpu.memref_slice %arg8[%dma_wait3A_949, %dma_wait3A_953] : memref<8x80xi32, #tpu.memory_space<vmem>> -> memref<1x80xi32, #tpu.memory_space<vmem>>
      %dma_wait3A_955 = tpu.memref_squeeze %dma_wait3A_954 : memref<1x80xi32, #tpu.memory_space<vmem>> -> memref<80xi32, #tpu.memory_space<vmem>>
      %dma_wait3A_956 = arith.constant 0 : i32
      %dma_wait3A_957 = arith.constant 0 : i32
      %dma_wait3A_958 = tpu.memref_slice %arg7[%dma_wait3A_956, %dma_wait3A_957] : memref<10000x128xf32, #tpu.memory_space<vmem_shared>> -> memref<10000x128xf32, #tpu.memory_space<vmem_shared>>
      tpu.wait_indirect_dma semaphore(%arg19 : memref<!tpu.dma_semaphore, #tpu.memory_space<semaphore_mem>>) src(%dma_wait3A_958 : memref<10000x128xf32, #tpu.memory_space<vmem_shared>>) dst(%dma_wait3A_952 : memref<80x128xf32, #tpu.memory_space<vmem>>)
      %add3A_959 = arith.constant 112 : i32
      %add3A_960 = arith.addi %add3A_959, %arg1 : i32
      %mul3A_961 = arith.constant 80 : i32
      %mul3A_962 = arith.muli %add3A_960, %mul3A_961 : i32
      %multiple_of3A_963 = tpu.assume_multiple %mul3A_962, 8 : i32
      %dma_start3A_964 = arith.constant 0 : i32
      %dma_start3A_965 = arith.constant 0 : i32
      %dma_start3A_966 = tpu.memref_slice %arg10[%dma_start3A_964, %dma_start3A_965] : memref<128x128xf32, #tpu.memory_space<vmem>> -> memref<80x128xf32, #tpu.memory_space<vmem>>
      %dma_start3A_967 = arith.constant 0 : i32
      %dma_start3A_968 = tpu.memref_slice %arg5[%arg0, %multiple_of3A_963, %dma_start3A_967] : memref<2x10000x128xf32, #tpu.memory_space<hbm>> -> memref<1x80x128xf32, #tpu.memory_space<hbm>>
      %dma_start3A_969 = tpu.memref_squeeze %dma_start3A_968 : memref<1x80x128xf32, #tpu.memory_space<hbm>> -> memref<80x128xf32, #tpu.memory_space<hbm>>
      %dma_start3A_970 = arith.constant 0 : i32
      %dma_start3A_971 = tpu.memref_slice %arg5[%arg0, %multiple_of3A_963, %dma_start3A_970] : memref<2x10000x128xf32, #tpu.memory_space<hbm>> -> memref<1x80x128xf32, #tpu.memory_space<hbm>>
      %dma_start3A_972 = tpu.memref_squeeze %dma_start3A_971 : memref<1x80x128xf32, #tpu.memory_space<hbm>> -> memref<80x128xf32, #tpu.memory_space<hbm>>
      %dma_start3A_973 = arith.constant 0 : i32
      %dma_start3A_974 = arith.constant 0 : i32
      %dma_start3A_975 = tpu.memref_slice %arg10[%dma_start3A_973, %dma_start3A_974] : memref<128x128xf32, #tpu.memory_space<vmem>> -> memref<80x128xf32, #tpu.memory_space<vmem>>
      tpu.enqueue_dma source(%dma_start3A_975 : memref<80x128xf32, #tpu.memory_space<vmem>>) target(%dma_start3A_972 : memref<80x128xf32, #tpu.memory_space<hbm>>) target_semaphore(%arg21 : memref<!tpu.dma_semaphore, #tpu.memory_space<semaphore_mem>>)
    } else {
    }
    %add3A_912 = arith.constant 80 : i32
    %add3A_913 = arith.addi %add3A_912, %arg1 : i32
    %lt3A_914 = arith.constant 125 : i32
    %lt3A_915 = arith.cmpi slt, %add3A_913, %lt3A_914 : i32
    %add3A_916 = arith.constant 112 : i32
    %add3A_917 = arith.addi %add3A_916, %arg1 : i32
    %ge3A = arith.constant 125 : i32
    %ge3A_918 = arith.cmpi sge, %add3A_917, %ge3A : i32
    %and3A = arith.andi %lt3A_915, %ge3A_918 : i1
    %convert_element_type3A_919 = arith.extui %and3A : i1 to i32
    %cond3A_920 = arith.constant 0 : i32
    %cond3A_921 = arith.cmpi ne, %convert_element_type3A_919, %cond3A_920 : i32
    scf.if %cond3A_921 {
      %add3A_949 = arith.constant 80 : i32
      %add3A_950 = arith.addi %add3A_949, %arg1 : i32
      %mul3A_951 = arith.constant 80 : i32
      %mul3A_952 = arith.muli %add3A_950, %mul3A_951 : i32
      %multiple_of3A_953 = tpu.assume_multiple %mul3A_952, 8 : i32
      %dma_wait3A_954 = arith.constant 0 : i32
      %dma_wait3A_955 = arith.constant 0 : i32
      %dma_wait3A_956 = tpu.memref_slice %arg10[%dma_wait3A_954, %dma_wait3A_955] : memref<128x128xf32, #tpu.memory_space<vmem>> -> memref<80x128xf32, #tpu.memory_space<vmem>>
      %dma_wait3A_957 = arith.constant 0 : i32
      %dma_wait3A_958 = tpu.memref_slice %arg5[%arg0, %multiple_of3A_953, %dma_wait3A_957] : memref<2x10000x128xf32, #tpu.memory_space<hbm>> -> memref<1x80x128xf32, #tpu.memory_space<hbm>>
      %dma_wait3A_959 = tpu.memref_squeeze %dma_wait3A_958 : memref<1x80x128xf32, #tpu.memory_space<hbm>> -> memref<80x128xf32, #tpu.memory_space<hbm>>
      %dma_wait3A_960 = arith.constant 0 : i32
      %dma_wait3A_961 = tpu.memref_slice %arg5[%arg0, %multiple_of3A_953, %dma_wait3A_960] : memref<2x10000x128xf32, #tpu.memory_space<hbm>> -> memref<1x80x128xf32, #tpu.memory_space<hbm>>
      %dma_wait3A_962 = tpu.memref_squeeze %dma_wait3A_961 : memref<1x80x128xf32, #tpu.memory_space<hbm>> -> memref<80x128xf32, #tpu.memory_space<hbm>>
      %dma_wait3A_963 = arith.constant 0 : i32
      %dma_wait3A_964 = arith.constant 0 : i32
      %dma_wait3A_965 = tpu.memref_slice %arg10[%dma_wait3A_963, %dma_wait3A_964] : memref<128x128xf32, #tpu.memory_space<vmem>> -> memref<80x128xf32, #tpu.memory_space<vmem>>
      tpu.wait_dma2 semaphore(%arg21 : memref<!tpu.dma_semaphore, #tpu.memory_space<semaphore_mem>>) src(%dma_wait3A_965 : memref<80x128xf32, #tpu.memory_space<vmem>>) dst(%dma_wait3A_962 : memref<80x128xf32, #tpu.memory_space<hbm>>)
    } else {
    }
    %add3A_922 = arith.constant 96 : i32
    %add3A_923 = arith.addi %add3A_922, %arg1 : i32
    %mul3A_924 = arith.constant 80 : i32
    %mul3A_925 = arith.muli %add3A_923, %mul3A_924 : i32
    %multiple_of3A_926 = tpu.assume_multiple %mul3A_925, 8 : i32
    %dma_wait3A_927 = arith.constant 0 : i32
    %dma_wait3A_928 = arith.constant 0 : i32
    %dma_wait3A_929 = tpu.memref_slice %arg9[%dma_wait3A_927, %dma_wait3A_928] : memref<128x128xf32, #tpu.memory_space<vmem>> -> memref<80x128xf32, #tpu.memory_space<vmem>>
    %dma_wait3A_930 = arith.constant 0 : i32
    %dma_wait3A_931 = tpu.memref_slice %arg5[%arg0, %multiple_of3A_926, %dma_wait3A_930] : memref<2x10000x128xf32, #tpu.memory_space<hbm>> -> memref<1x80x128xf32, #tpu.memory_space<hbm>>
    %dma_wait3A_932 = tpu.memref_squeeze %dma_wait3A_931 : memref<1x80x128xf32, #tpu.memory_space<hbm>> -> memref<80x128xf32, #tpu.memory_space<hbm>>
    %dma_wait3A_933 = arith.constant 0 : i32
    %dma_wait3A_934 = tpu.memref_slice %arg5[%arg0, %multiple_of3A_926, %dma_wait3A_933] : memref<2x10000x128xf32, #tpu.memory_space<hbm>> -> memref<1x80x128xf32, #tpu.memory_space<hbm>>
    %dma_wait3A_935 = tpu.memref_squeeze %dma_wait3A_934 : memref<1x80x128xf32, #tpu.memory_space<hbm>> -> memref<80x128xf32, #tpu.memory_space<hbm>>
    %dma_wait3A_936 = arith.constant 0 : i32
    %dma_wait3A_937 = arith.constant 0 : i32
    %dma_wait3A_938 = tpu.memref_slice %arg9[%dma_wait3A_936, %dma_wait3A_937] : memref<128x128xf32, #tpu.memory_space<vmem>> -> memref<80x128xf32, #tpu.memory_space<vmem>>
    tpu.wait_dma2 semaphore(%arg20 : memref<!tpu.dma_semaphore, #tpu.memory_space<semaphore_mem>>) src(%dma_wait3A_938 : memref<80x128xf32, #tpu.memory_space<vmem>>) dst(%dma_wait3A_935 : memref<80x128xf32, #tpu.memory_space<hbm>>)
    %add3A_939 = arith.constant 112 : i32
    %add3A_940 = arith.addi %add3A_939, %arg1 : i32
    %lt3A_941 = arith.constant 125 : i32
    %lt3A_942 = arith.cmpi slt, %add3A_940, %lt3A_941 : i32
    %convert_element_type3A_943 = arith.extui %lt3A_942 : i1 to i32
    %cond3A_944 = arith.constant 0 : i32
    %cond3A_945 = arith.cmpi ne, %convert_element_type3A_943, %cond3A_944 : i32
    scf.if %cond3A_945 {
      %add3A_949 = arith.constant 112 : i32
      %add3A_950 = arith.addi %add3A_949, %arg1 : i32
      %mul3A_951 = arith.constant 80 : i32
      %mul3A_952 = arith.muli %add3A_950, %mul3A_951 : i32
      %multiple_of3A_953 = tpu.assume_multiple %mul3A_952, 8 : i32
      %dma_wait3A_954 = arith.constant 0 : i32
      %dma_wait3A_955 = arith.constant 0 : i32
      %dma_wait3A_956 = tpu.memref_slice %arg10[%dma_wait3A_954, %dma_wait3A_955] : memref<128x128xf32, #tpu.memory_space<vmem>> -> memref<80x128xf32, #tpu.memory_space<vmem>>
      %dma_wait3A_957 = arith.constant 0 : i32
      %dma_wait3A_958 = tpu.memref_slice %arg5[%arg0, %multiple_of3A_953, %dma_wait3A_957] : memref<2x10000x128xf32, #tpu.memory_space<hbm>> -> memref<1x80x128xf32, #tpu.memory_space<hbm>>
      %dma_wait3A_959 = tpu.memref_squeeze %dma_wait3A_958 : memref<1x80x128xf32, #tpu.memory_space<hbm>> -> memref<80x128xf32, #tpu.memory_space<hbm>>
      %dma_wait3A_960 = arith.constant 0 : i32
      %dma_wait3A_961 = tpu.memref_slice %arg5[%arg0, %multiple_of3A_953, %dma_wait3A_960] : memref<2x10000x128xf32, #tpu.memory_space<hbm>> -> memref<1x80x128xf32, #tpu.memory_space<hbm>>
      %dma_wait3A_962 = tpu.memref_squeeze %dma_wait3A_961 : memref<1x80x128xf32, #tpu.memory_space<hbm>> -> memref<80x128xf32, #tpu.memory_space<hbm>>
      %dma_wait3A_963 = arith.constant 0 : i32
      %dma_wait3A_964 = arith.constant 0 : i32
      %dma_wait3A_965 = tpu.memref_slice %arg10[%dma_wait3A_963, %dma_wait3A_964] : memref<128x128xf32, #tpu.memory_space<vmem>> -> memref<80x128xf32, #tpu.memory_space<vmem>>
      tpu.wait_dma2 semaphore(%arg21 : memref<!tpu.dma_semaphore, #tpu.memory_space<semaphore_mem>>) src(%dma_wait3A_965 : memref<80x128xf32, #tpu.memory_space<vmem>>) dst(%dma_wait3A_962 : memref<80x128xf32, #tpu.memory_space<hbm>>)
    } else {
    }
    %mul3A_946 = arith.constant 16 : i32
    %mul3A_947 = arith.muli %arg0, %mul3A_946 : i32
    %add3A_948 = arith.addi %mul3A_947, %arg1 : i32
    %run_scoped3A = arith.constant 0 : i32
    "tpu.region"() ({
      %run_scoped3A_949 = tpu.sem_alloc : memref<!tpu.dma_semaphore, #tpu.memory_space<semaphore_mem>>
      %dma_start3A_950 = arith.constant 0 : i32
      %dma_start3A_951 = tpu.memref_slice %arg6[%add3A_948, %run_scoped3A, %dma_start3A_950] : memref<32x1x10000xf32, #tpu.memory_space<hbm>> -> memref<1x1x10000xf32, #tpu.memory_space<hbm>>
      %dma_start3A_952 = tpu.memref_squeeze %dma_start3A_951 : memref<1x1x10000xf32, #tpu.memory_space<hbm>> -> memref<10000xf32, #tpu.memory_space<hbm>>
      %dma_start3A_953 = arith.constant 0 : i32
      %dma_start3A_954 = tpu.memref_slice %arg6[%add3A_948, %run_scoped3A, %dma_start3A_953] : memref<32x1x10000xf32, #tpu.memory_space<hbm>> -> memref<1x1x10000xf32, #tpu.memory_space<hbm>>
      %dma_start3A_955 = tpu.memref_squeeze %dma_start3A_954 : memref<1x1x10000xf32, #tpu.memory_space<hbm>> -> memref<10000xf32, #tpu.memory_space<hbm>>
      tpu.enqueue_dma source(%arg17 : memref<10000xf32, #tpu.memory_space<vmem>>) target(%dma_start3A_955 : memref<10000xf32, #tpu.memory_space<hbm>>) target_semaphore(%run_scoped3A_949 : memref<!tpu.dma_semaphore, #tpu.memory_space<semaphore_mem>>)
      %dma_wait3A_956 = arith.constant 0 : i32
      %dma_wait3A_957 = tpu.memref_slice %arg6[%add3A_948, %run_scoped3A, %dma_wait3A_956] : memref<32x1x10000xf32, #tpu.memory_space<hbm>> -> memref<1x1x10000xf32, #tpu.memory_space<hbm>>
      %dma_wait3A_958 = tpu.memref_squeeze %dma_wait3A_957 : memref<1x1x10000xf32, #tpu.memory_space<hbm>> -> memref<10000xf32, #tpu.memory_space<hbm>>
      %dma_wait3A_959 = arith.constant 0 : i32
      %dma_wait3A_960 = tpu.memref_slice %arg6[%add3A_948, %run_scoped3A, %dma_wait3A_959] : memref<32x1x10000xf32, #tpu.memory_space<hbm>> -> memref<1x1x10000xf32, #tpu.memory_space<hbm>>
      %dma_wait3A_961 = tpu.memref_squeeze %dma_wait3A_960 : memref<1x1x10000xf32, #tpu.memory_space<hbm>> -> memref<10000xf32, #tpu.memory_space<hbm>>
      tpu.wait_dma2 semaphore(%run_scoped3A_949 : memref<!tpu.dma_semaphore, #tpu.memory_space<semaphore_mem>>) src(%arg17 : memref<10000xf32, #tpu.memory_space<vmem>>) dst(%dma_wait3A_961 : memref<10000xf32, #tpu.memory_space<hbm>>)
      tpu.yield
    }) : () -> ()
    return
  }
}

module attributes {stable_mosaic.version = 14 : i64} {
  func.func @_tc_body(%arg0: i32, %arg1: memref<2x2000x128xf32, #tpu.memory_space<vmem>>, %arg2: memref<1x32x2000xf32, #tpu.memory_space<vmem>>, %arg3: memref<128x128xf32, #tpu.memory_space<vmem>>, %arg4: memref<1x128xf32, #tpu.memory_space<vmem>>, %arg5: memref<2000x128xf32, #tpu.memory_space<vmem>>) attributes {dimension_semantics = [#tpu.dimension_semantics<arbitrary>], iteration_bounds = array<i64: 5>, scalar_prefetch = 0 : i64, scratch_operands = 0 : i64, tpu.core_type = #tpu.core_type<tc>, window_params = [{transform_indices = @transform_0, window_bounds = array<i64: 2, 2000, 128>}, {transform_indices = @transform_1, window_bounds = array<i64: 1, 32, 2000>}, {pipeline_mode = #tpu.pipeline_mode<synchronous>, transform_indices = @transform_2, window_bounds = array<i64: 128, 128>}, {pipeline_mode = #tpu.pipeline_mode<synchronous>, transform_indices = @transform_3, window_bounds = array<i64: 1, 128>}, {transform_indices = @transform_4, window_bounds = array<i64: 2000, 128>}]} {
    %get3A = arith.constant 0 : index
    %get3A_0 = arith.constant 0 : index
    %get3A_1 = arith.constant 0 : index
    %get3A_2 = vector.load %arg1[%get3A, %get3A_0, %get3A_1] : memref<2x2000x128xf32, #tpu.memory_space<vmem>>, vector<1x2000x128xf32>
    %get3A_3 = vector.shape_cast %get3A_2 : vector<1x2000x128xf32> to vector<2000x128xf32>
    %get3A_4 = arith.constant 1 : index
    %get3A_5 = arith.constant 0 : index
    %get3A_6 = arith.constant 0 : index
    %get3A_7 = vector.load %arg1[%get3A_4, %get3A_5, %get3A_6] : memref<2x2000x128xf32, #tpu.memory_space<vmem>>, vector<1x2000x128xf32>
    %get3A_8 = vector.shape_cast %get3A_7 : vector<1x2000x128xf32> to vector<2000x128xf32>
    %add3A = arith.addf %get3A_3, %get3A_8 : vector<2000x128xf32>
    %broadcast_in_dim3A = arith.constant 1.000000e+00 : f32
    %broadcast_in_dim3A_9 = vector.broadcast %broadcast_in_dim3A : f32 to vector<32x1xf32>
    %get3A_10 = arith.constant 0 : index
    %get3A_11 = arith.constant 0 : index
    %get3A_12 = arith.constant 0 : index
    %get3A_13 = vector.load %arg2[%get3A_10, %get3A_11, %get3A_12] : memref<1x32x2000xf32, #tpu.memory_space<vmem>>, vector<1x32x2000xf32>
    %get3A_14 = vector.shape_cast %get3A_13 : vector<1x32x2000xf32> to vector<32x2000xf32>
    %dot_general3A = arith.constant dense<0.000000e+00> : vector<2000x1xf32>
    %dot_general3A_15 = tpu.matmul %get3A_14, %broadcast_in_dim3A_9, %dot_general3A {dimension_numbers = #tpu.dot_dimension_numbers<[0], [0], [1], [1], [0, 1, 1, 1], [], []>, transpose_lhs_hint = false} : vector<32x2000xf32>, vector<32x1xf32>, vector<2000x1xf32> -> vector<2000x1xf32>
    %get3A_16 = arith.constant 0 : index
    %get3A_17 = arith.constant 0 : index
    %get3A_18 = vector.load %arg3[%get3A_16, %get3A_17] : memref<128x128xf32, #tpu.memory_space<vmem>>, vector<128x128xf32>
    %dot_general3A_19 = arith.constant dense<0.000000e+00> : vector<2000x128xf32>
    %dot_general3A_20 = tpu.matmul %add3A, %get3A_18, %dot_general3A_19 {dimension_numbers = #tpu.dot_dimension_numbers<[1], [1], [0], [0], [0, 0, 1, 0], [], []>, transpose_lhs_hint = false} : vector<2000x128xf32>, vector<128x128xf32>, vector<2000x128xf32> -> vector<2000x128xf32>
    %get3A_21 = arith.constant 0 : index
    %get3A_22 = arith.constant 0 : index
    %get3A_23 = vector.load %arg4[%get3A_21, %get3A_22] : memref<1x128xf32, #tpu.memory_space<vmem>>, vector<1x128xf32>
    %mul3A = vector.broadcast %dot_general3A_15 : vector<2000x1xf32> to vector<2000x128xf32>
    %mul3A_24 = vector.broadcast %get3A_23 : vector<1x128xf32> to vector<2000x128xf32>
    %mul3A_25 = arith.mulf %mul3A, %mul3A_24 : vector<2000x128xf32>
    %add3A_26 = arith.addf %dot_general3A_20, %mul3A_25 : vector<2000x128xf32>
    %max3A = arith.constant 1.000000e+00 : f32
    %max3A_27 = vector.broadcast %max3A : f32 to vector<2000x1xf32>
    %max3A_28 = arith.maximumf %dot_general3A_15, %max3A_27 : vector<2000x1xf32>
    %div3A = vector.broadcast %max3A_28 : vector<2000x1xf32> to vector<2000x128xf32>
    %div3A_29 = arith.divf %add3A_26, %div3A : vector<2000x128xf32>
    %swap3A = arith.constant 0 : index
    %swap3A_30 = arith.constant 0 : index
    %swap3A_31 = vector.load %arg5[%swap3A, %swap3A_30] : memref<2000x128xf32, #tpu.memory_space<vmem>>, vector<2000x128xf32>
    tpu.vector_store %arg5[%swap3A, %swap3A_30], %div3A_29 {strides = array<i32>} : memref<2000x128xf32, #tpu.memory_space<vmem>>, vector<2000x128xf32>,
    return
  }
  func.func @transform_0(%arg0: i32) -> (i32, i32, i32) {
    %c0_i32 = arith.constant 0 : i32
    %c0_i32_0 = arith.constant 0 : i32
    %c0_i32_1 = arith.constant 0 : i32
    return %c0_i32, %arg0, %c0_i32_0 : i32, i32, i32
  }
  func.func @transform_1(%arg0: i32) -> (i32, i32, i32) {
    %c0_i32 = arith.constant 0 : i32
    %c0_i32_0 = arith.constant 0 : i32
    %c0_i32_1 = arith.constant 0 : i32
    return %arg0, %c0_i32, %c0_i32_0 : i32, i32, i32
  }
  func.func @transform_2(%arg0: i32) -> (i32, i32) {
    %c0_i32 = arith.constant 0 : i32
    %c0_i32_0 = arith.constant 0 : i32
    %c0_i32_1 = arith.constant 0 : i32
    return %c0_i32, %c0_i32_0 : i32, i32
  }
  func.func @transform_3(%arg0: i32) -> (i32, i32) {
    %c0_i32 = arith.constant 0 : i32
    %c0_i32_0 = arith.constant 0 : i32
    %c0_i32_1 = arith.constant 0 : i32
    return %c0_i32, %c0_i32_0 : i32, i32
  }
  func.func @transform_4(%arg0: i32) -> (i32, i32) {
    %c0_i32 = arith.constant 0 : i32
    %c0_i32_0 = arith.constant 0 : i32
    return %arg0, %c0_i32 : i32, i32
  }
}

</mosaic_0001>

<sc_bundles>
// kernel: kernel.4.cloned.1.call-start
scs
__scs_entry_jumppad:
0x0: {  	(pc) =	sbr.rel $0x88, $3  }
0x1: {  	(tag) =	ssettag $0x0;
	lr =	simm.s32 $0x1  }
0x2: {  	[smem:$0x3F9D] =	sst lr;
	_ =	strace $0xD0000000  }
0x3: {  	_ = 	snop  }
0x4: {  	_ = 	snop  }
0x5: {  	_ = 	snop  }
0x6: {  	_ = 	snop  }
0x7: {  	_ = 	snop  }
__scs_overlays_trampoline_lowered:
0x8: {  	[smem:$0x3FAC] =	sst s0  }
0x9: {  	[smem:$0x3FAD] =	sst s1  }
0xa: {  	[smem:$0x3FAE] =	sst s2  }
0xb: {  	[smem:$0x3FAF] =	sst s3  }
0xc: {  	[smem:$0x3FB0] =	sst s4  }
0xd: {  	[smem:$0x3FB1] =	sst s5  }
0xe: {  	[smem:$0x3FB2] =	sst s6  }
0xf: {  	[smem:$0x3FB3] =	sst s7  }
0x10: {  	[smem:$0x3FB4] =	sst s8  }
0x11: {  	[smem:$0x3FB5] =	sst s9;
	s0 =	simm.s32 @!p0 $0x0  }
0x12: {  	s1 =	sld [smem:$0x3F9B];
	s0 =	simm.s32 @p0 $0x1  }
0x13: {  	[smem:$0x3FB6] =	sst s0;
	s0 =	simm.s32 @!p1 $0x0  }
0x14: {  	s2 =	sld [smem:$0x3F9A];
	s0 =	simm.s32 @p1 $0x1  }
0x15: {  	[smem:$0x3FB7] =	sst s0;
	s0 =	simm.s32 @!p2 $0x0  }
0x16: {  	s3 =	sld [smem:$0x3FDB];
	s0 =	simm.s32 @p2 $0x1  }
0x17: {  	s4 =	simm.s32 $0x1BF5;
	[smem:$0x3FB9] =	sst s0  }
0x18: {  	s0 =	sld [smem:$0x3F9C];
	_ =	swait.ge [sflag:s4], $0x0  }
0x19: {  	s7 =	sld [smem:$0x3F9D]  }
0x1a: {  	s8 =	sadd.s32 $0xFFFFE003, lr  }
0x1b: {  	s9 =	sadd.s32 $0xFFFFFEF7, lr;
	s5 =	simm.s32 $0xFFFFFFFF;
	p2 =	slt.u32 s8, $0xFFFFF086  }
0x1c: {  	p1 =	slt.u32 s9, $0xF7A;
	s5 =	simm.s32 @!p2 $0x0  }
0x1d: {  	s5 =	simm.s32 @p1 $0x1;
	p0 =	seq.s32 s7, s2  }
0x1e: {  	s7 =	smul.u32 @!p0 $0xF7A, s2;
	p2 =	seq.s32 @!p0 s5, $0x0  }
0x1f: {  	s9 =	smul.u32 $0xF7A, s1;
	s8 =	simm.s32 @!p0 $0x1BF5;
	p2 =	por !p2, p0  }
0x20: {  	[sflag:s8] =	ssyncset.s32 @!p0 $0xFFFFF086;
	s6 =	sadd.s32 @!p0 s3, s7;
	s7 =	simm.s32 @!p0 $0x108  }
0x21: {  	s3 =	sadd.s32 s3, s9;
	s6 =	sadd.s32 @!p0 $0x88, s6;
	s7 =	simm.s32 @p2 $0x1082  }
0x22: {  	[simem:s7], [sflag:s8] =	dma.local @!p0 [hbm:s6], $0xF7A  }
0x23: {  	s9 =	sor.u32 $0xD0000000, s2;
	s6 =	simm.s32 $0x108;
	_ =	swait.ge @!p0 [sflag:s8], $0x0  }
0x24: {  	s3 =	sadd.s32 $0x88, s3;
	s6 =	simm.s32 @!p1 $0x1082;
	[sflag:s4] =	ssyncset.s32 $0xFFFFF086  }
0x25: {  	[simem:s6], [sflag:s4] =	dma.local [hbm:s3], $0xF7A  }
0x26: {  	[smem:$0x3F9D] =	sst s1;
	(tag) =	ssettag s2;
	_ =	strace s9  }
0x27: {  	s1 =	sld [smem:$0x3FAD]  }
0x28: {  	s2 =	sld [smem:$0x3FAE]  }
0x29: {  	s4 =	sld [smem:$0x3FB0]  }
0x2a: {  	p0 =	seq.s32 s5, $0x0;
	s5 =	sld [smem:$0x3FB1]  }
0x2b: {  	s6 =	sld [smem:$0x3FB2]  }
0x2c: {  	s7 =	sld [smem:$0x3FB3]  }
0x2d: {  	s3 =	simm.s32 $0x108;
	s8 =	sld [smem:$0x3FB4]  }
0x2e: {  	s3 =	simm.s32 @!p0 $0x1082;
	s9 =	sld [smem:$0x3FB5]  }
0x2f: {  	lr =	sadd.s32 s0, s3;
	s0 =	sld [smem:$0x3FAC]  }
0x30: {  	s3 =	sld [smem:$0x3FAF]  }
0x31: {  	[smem:$0x3FB8] =	sst s10  }
0x32: {  	s10 =	sld [smem:$0x3FB6];
	_ =	sdelay $0x3  }
0x33: {  	p0 =	seq.s32 s10, $0x1;
	s10 =	sld [smem:$0x3FB8];
	_ =	sdelay $0x3  }
0x34: {  	[smem:$0x3FB8] =	sst s10  }
0x35: {  	s10 =	sld [smem:$0x3FB7];
	_ =	sdelay $0x3  }
0x36: {  	p1 =	seq.s32 s10, $0x1;
	s10 =	sld [smem:$0x3FB8];
	_ =	sdelay $0x3  }
0x37: {  	[smem:$0x3FB8] =	sst s10  }
0x38: {  	s10 =	sld [smem:$0x3FB9]  }
0x39: {  	_ = 	snop;
	(pc) =	sbr.ind lr, $3  }
0x3a: {  	_ = 	snop  }
0x3b: {  	_ = 	snop  }
0x3c: {  	p2 =	seq.s32 s10, $0x1;
	s10 =	sld [smem:$0x3FB8]  }
0x3d: {  	_ =	shalt  }
0x3e: {  	_ =	shalt  }
0x3f: {  	_ =	shalt  }
0x40: {  	_ =	shalt  }
0x41: {  	_ =	shalt  }
0x42: {  	_ =	shalt  }
0x43: {  	_ =	shalt  }
0x44: {  	_ =	shalt  }
0x45: {  	_ =	shalt  }
0x46: {  	_ =	shalt  }
0x47: {  	_ =	shalt  }
0x48: {  	_ =	shalt  }
0x49: {  	_ =	shalt  }
0x4a: {  	_ =	shalt  }
0x4b: {  	_ =	shalt  }
0x4c: {  	_ =	shalt  }
0x4d: {  	_ =	shalt  }
0x4e: {  	_ =	shalt  }
0x4f: {  	_ =	shalt  }
0x50: {  	_ =	shalt  }
0x51: {  	_ =	shalt  }
0x52: {  	_ =	shalt  }
0x53: {  	_ =	shalt  }
0x54: {  	_ =	shalt  }
0x55: {  	_ =	shalt  }
0x56: {  	_ =	shalt  }
0x57: {  	_ =	shalt  }
0x58: {  	_ =	shalt  }
0x59: {  	_ =	shalt  }
0x5a: {  	_ =	shalt  }
0x5b: {  	_ =	shalt  }
0x5c: {  	_ =	shalt  }
0x5d: {  	_ =	shalt  }
0x5e: {  	_ =	shalt  }
0x5f: {  	_ =	shalt  }
0x60: {  	_ =	shalt  }
0x61: {  	_ =	shalt  }
0x62: {  	_ =	shalt  }
0x63: {  	_ =	shalt  }
0x64: {  	_ =	shalt  }
0x65: {  	_ =	shalt  }
0x66: {  	_ =	shalt  }
0x67: {  	_ =	shalt  }
0x68: {  	_ =	shalt  }
0x69: {  	_ =	shalt  }
0x6a: {  	_ =	shalt  }
0x6b: {  	_ =	shalt  }
0x6c: {  	_ =	shalt  }
0x6d: {  	_ =	shalt  }
0x6e: {  	_ =	shalt  }
0x6f: {  	_ =	shalt  }
0x70: {  	_ =	shalt  }
0x71: {  	_ =	shalt  }
0x72: {  	_ =	shalt  }
0x73: {  	_ =	shalt  }
0x74: {  	_ =	shalt  }
0x75: {  	_ =	shalt  }
0x76: {  	_ =	shalt  }
0x77: {  	_ =	shalt  }
0x78: {  	_ =	shalt  }
0x79: {  	_ =	shalt  }
0x7a: {  	_ =	shalt  }
0x7b: {  	_ =	shalt  }
0x7c: {  	_ =	shalt  }
0x7d: {  	_ =	shalt  }
0x7e: {  	_ =	shalt  }
0x7f: {  	_ =	shalt  }
0x80: {  	_ =	shalt  }
0x81: {  	_ =	shalt  }
0x82: {  	_ =	shalt  }
0x83: {  	_ =	shalt  }
0x84: {  	_ =	shalt  }
0x85: {  	_ =	shalt  }
0x86: {  	_ =	shalt  }
0x87: {  	_ =	shalt  }
.Lfunc_end0:
.L_simem_size_0:
called_computation_lowered:
.L_overlay_start_0:
0x88: {  	s2 =	sld [smem:$0x3FD9]  }
0x89: {  	s3 =	sld [smem:$0x3FFE];
	_ =	sdelay $0x1  }
0x8a: {  	s1 =	srdreg.scid  }
0x8b: {  	s0 =	sand.u32 $0x1, s1  }
0x8c: {  	s17 =	sshll.u32 s0, $0xA;
	s2 =	sadd.s32 s3, s2  }
0x8d: {  	s2 =	sadd.s32 s2, s17  }
0x8e: {  	[smem:$0x3FC4] =	sst s2  }
0x8f: {  	_ = 	snop  }
0x90: {  	s2 =	sld [smem:$0x3FC9]  }
0x91: {  	s18 =	sld [smem:$0x3FD0];
	(tm) =	ssettm $0x1  }
0x92: {  	s4 =	sld [smem:$0x3FFB];
	_ =	sdelay $0x3  }
0x93: {  	_ =	strace s4  }
0x94: {  	s4 =	sld [smem:$0x3FFC];
	_ =	sdelay $0x3  }
0x95: {  	_ =	strace s4  }
0x96: {  	s4 =	sld [smem:$0x3FFD];
	_ =	sdelay $0x3  }
0x97: {  	_ =	strace s4  }
0x98: {  	_ =	strace $0x8FFFFFFF  }
0x99: {  	s19 =	sld [smem:$0x3FDB];
	_ =	sdelay $0x1  }
0x9a: {  	s5 =	simm.s32 $_scs_section_size  }
0x9b: {  	s6 =	simm.s32 $_size__tile_overlayer_lowered;
	s7 =	simm.s32 $_tile_overlayer_lowered  }
0x9c: {  	s22 =	simm.s32 $0x1BFF;
	s21 =	sshll.u32 s7, $0x1;
	s4 =	sadd.s32 s5, s19  }
0x9d: {  	s8 =	simm.s32 $0x0;
	s20 =	sshll.u32 s6, $0x1;
	s6 =	sadd.s32 s21, s4  }
0x9e: {  	[timem:s8], [sflag:s22] =	dma.local [hbm:s6], s20  }
0x9f: {  	_ =	swait.ge [sflag:s22], s20  }
0xa0: {  	s5 =	ssub.s32 $0x0, s20;
	[sflag:s22] =	ssyncset.done $0x0  }
0xa1: {  	[sflag:s22] =	ssyncadd.s32 s5;
	_ =	sdelay $0x1  }
0xa2: {  	s23 =	simm.s32 $0x1B8B  }
0xa3: {  	_ =	swait.ge [sflag:s23], $0x1  }
0xa4: {  	[sflag:s23] =	ssyncset.done $0x0  }
0xa5: {  	s25 =	simm.s32 $0x1B8E;
	s24 =	sld [smem:$0x3FFE];
	[sflag:s23] =	ssyncadd.s32 $0xFFFFFFFF  }
0xa6: {  	s26 =	simm.s32 $execute0_lowered;
	[smem:$0x3FD2] =	sst s25  }
0xa7: {  	s6 =	sshll.u32 s26, $0x1;
	_ =	strace $0x80000046;
	[dreg:$0x1] =	wrdreg $0xFFFFFFFF  }
0xa8: {  	s28 =	simm.s32 $_size_execute0_lowered;
	s4 =	sadd.s32 s4, s6;
	[dreg:$0x0] =	wrdreg $0x0  }
0xa9: {  	s6 =	sshll.u32 s28, $0x1;
	[dreg:$0x2] =	wrdreg s4  }
0xaa: {  	[dreg:$0x3] =	wrdreg s6  }
0xab: {  	[dreg:$0x4] =	wrdreg $0xC0  }
0xac: {  	_ =	task [dreg:s8], $0x5FFFF  }
0xad: {  	[dreg:$0x1] =	wrdreg $0xFFFFFFFF  }
0xae: {  	[dreg:$0x0] =	wrdreg $0x60  }
0xaf: {  	[dreg:$0x2] =	wrdreg s2  }
0xb0: {  	[dreg:$0x3] =	wrdreg s24  }
0xb1: {  	[dreg:$0x4] =	wrdreg s18  }
0xb2: {  	[dreg:$0x5] =	wrdreg $0x0  }
0xb3: {  	[dreg:$0x6] =	wrdreg $0x9  }
0xb4: {  	_ =	task.clear_ibuf [dreg:s8], $0x7FFFF;
	_ =	strace $0x90000046  }
0xb5: {  	s29 =	simm.s32 $0x9;
	_ =	strace $0x80000048  }
0xb6: {  	_ =	swait.ge [sflag:s29], $0x1  }
0xb7: {  	[sflag:s29] =	ssyncadd.s32 $0xFFFFFFFF  }
0xb8: {  	_ =	strace $0x90000048  }
0xb9: {  	_ =	sfence  }
0xba: {  	s30 =	sld [smem:$0x0];
	_ =	sdelay $0x2  }
0xbb: {  	s31 =	sshll.u32 s1, $0xD;
	s1 =	sshrl.u32 s1, $0x2  }
0xbc: {  	s3 =	sand.u32 $0x4000, s31;
	s1 =	sadd.s32 s1, s30  }
0xbd: {  	s0 =	sor.u32 s3, s0;
	s1 =	sshll.u32 s1, $0x11  }
0xbe: {  	s0 =	sor.u32 s1, s0  }
0xbf: {  	s0 =	sadd.s32 $0x8F2B, s0  }
0xc0: {  	[sflag:s0] =	ssyncadd.remote.s32 $0x1  }
0xc1: {  	_ =	sfence.sel $0xFFFF  }
0xc2: {  	[dreg:$0x0] =	wrdreg $0xFFFFFFFF;
	(pc) =	sbr.abs _section_cstart, $3  }
0xc3: {  	[dreg:$0x1] =	wrdreg $0xFFFFFFFF  }
0xc4: {  	_ =	task.clear_ibuf [dreg:s8], $0x2FFFF;
	_ =	strace $0x9FFFFFFF  }
0xc5: {  	(tm) =	ssettm $0x7FFFFFFF  }
tec
execute0_lowered:
.L_overlay_start_1:
0x0: {  	(tag) =	ssettag $0x1  }
0x1: {  	s1 =	rddreg [dreg:$0x0]  }
0x2: {  	s0 =	srdreg.scid;
	s2 =	rddreg [dreg:$0x1]  }
0x3: {  	s8 =	stileid.u32;
	s12 =	rddreg [dreg:$0x2]  }
0x4: {  	s3 =	rddreg [dreg:$0x3];
	s4 =	simm.s32 $0x0;
	s9 =	smul.u32 $0x50, s8  }
0x5: {  	s10 =	sand.u32 $0x1, s0;
	s14 =	sadd.s32 $0x13C00, s2;
	s16 =	smul.u32 $0x2800, s8  }
0x6: {  	s15 =	sor.u32 $0x50, s8;
	s17 =	sor.u32 $0x70, s8;
	s11 =	smul.u32 $0x138800, s10  }
0x7: {  	[smem:$0x7FF] =	sst s4;
	p0 =	sgt.u32 s8, $0xC;
	s21 =	smul.u32 $0x2800, s15  }
0x8: {  	s0 =	ssub.s32 $0x2, s10;
	s25 =	sshll.u32 s10, $0x4;
	s10 =	smul.u32 $0x27100, s10  }
0x9: {  	s5 =	sshrl.u32 s0, $0x1;
	s13 =	sadd.s32 $0x500, s9;
	s7 =	sadd.s32 $0xA00, s9  }
0xa: {  	s6 =	sadd.s32 $0xF00, s9;
	s23 =	sadd.s32 $0x1400, s9;
	[dreg:$0x1a] =	wrdreg s13  }
0xb: {  	s24 =	sadd.s32 $0x1E00, s9;
	s25 =	sor.u32 s8, s25;
	[dreg:$0x19] =	wrdreg s7  }
0xc: {  	s28 =	sadd.s32 $0x520, s9;
	s29 =	sadd.s32 $0x530, s9;
	[dreg:$0x17] =	wrdreg s6  }
0xd: {  	s30 =	sadd.s32 $0x540, s9;
	s0 =	ssub.s32 s0, s5;
	[dreg:$0x16] =	wrdreg s23  }
0xe: {  	[dreg:$0x15] =	wrdreg s24;
	s18 =	sshll.u32 s13, $0x7;
	s16 =	sadd.s32 s16, s11  }
0xf: {  	s19 =	sshll.u32 s7, $0x7;
	s20 =	sshll.u32 s6, $0x7;
	s22 =	sshll.u32 s23, $0x7  }
0x10: {  	s23 =	smul.u32 $0x2800, s17;
	s21 =	sadd.s32 s11, s21;
	s24 =	sshll.u32 s24, $0x7  }
0x11: {  	[dreg:$0x18] =	wrdreg s0;
	s18 =	sadd.s32 s11, s18;
	s19 =	sadd.s32 s11, s19  }
0x12: {  	s20 =	sadd.s32 s11, s20;
	s22 =	sadd.s32 s11, s22;
	s24 =	sadd.s32 s11, s24  }
0x13: {  	s26 =	sshrl.u32 s16, $0x3;
	s23 =	sadd.s32 s11, s23;
	s31 =	sshrl.u32 s18, $0x3  }
0x14: {  	s5 =	sadd.s32 s14, s26;
	s7 =	sshrl.u32 s19, $0x3;
	s16 =	sshrl.u32 s20, $0x3  }
0x15: {  	s18 =	sshrl.u32 s22, $0x3;
	[dreg:$0x5] =	wrdreg s5;
	s6 =	sadd.s32 s14, s31  }
0x16: {  	s22 =	sshrl.u32 s21, $0x3;
	s13 =	sadd.s32 s14, s7;
	[dreg:$0x6] =	wrdreg s6  }
0x17: {  	s19 =	sadd.s32 s14, s16;
	s20 =	sadd.s32 s14, s18;
	[dreg:$0x7] =	wrdreg s13  }
0x18: {  	s26 =	sadd.s32 s14, s22;
	s31 =	sshrl.u32 s24, $0x3;
	[dreg:$0x8] =	wrdreg s19  }
0x19: {  	s0 =	sshrl.u32 s23, $0x3;
	s5 =	smul.u32 $0x4F0, s25;
	[dreg:$0x9] =	wrdreg s20  }
0x1a: {  	s7 =	smul.u32 $0x2710, s8;
	s18 =	sadd.s32 $0x1410, s9;
	[dreg:$0xa] =	wrdreg s26  }
0x1b: {  	s6 =	sadd.s32 s14, s0;
	s13 =	smul.u32 $0x2710, s25;
	s26 =	sadd.s32 $0x510, s9  }
0x1c: {  	s0 =	sadd.s32 $0x1440, s9;
	[dreg:$0xb] =	wrdreg s6;
	s12 =	sadd.s32 s12, s5  }
0x1d: {  	s19 =	sadd.s32 s7, s10;
	s10 =	smul.u32 $0x50, s15;
	[dreg:$0xc] =	wrdreg s12  }
0x1e: {  	v39 =	vlaneseq.u32;
	s15 =	sadd.s32 $0x9E00, s2;
	_ =	strace $0x80000047;
	[smem:$0x7FC] =	sst s18  }
0x1f: {  	v6 =	vor.u32 s26, v39;
	s12 =	sshrl.u32 s13, $0x3;
	s26 =	sadd.s32 $0x100, s19;
	[dreg:$0x1f] =	wrdreg s0  }
0x20: {  	s11 =	sadd.s32 s14, s31;
	s14 =	sadd.s32 s15, s12;
	[dreg:$0x14] =	wrdreg s26  }
0x21: {  	s17 =	smul.u32 $0x50, s17;
	s16 =	sadd.s32 s2, s12;
	[dreg:$0xd] =	wrdreg s14  }
0x22: {  	v8 =	vor.u32 s29, v39;
	s29 =	simm.s32 $0x13C80;
	s18 =	sadd.s32 $0x1420, s9;
	[dreg:$0xe] =	wrdreg s16  }
0x23: {  	v9 =	vor.u32 s30, v39;
	s30 =	simm.s32 $0x0;
	s0 =	sadd.s32 $0x1E10, s9;
	[smem:$0x7FD] =	sst s18  }
0x24: {  	v7 =	vor.u32 s28, v39;
	s28 =	sadd.s32 $0x40, s17;
	s23 =	sadd.s32 $0x20, s9;
	[dreg:$0x1d] =	wrdreg s0  }
0x25: {  	s22 =	sadd.s32 $0x10, s9;
	s25 =	sadd.s32 $0x40, s9;
	v2 =	vor.u32 s23, v39;
	s23 =	rddreg [dreg:$0x1a]  }
0x26: {  	s24 =	sadd.s32 $0x30, s9;
	s5 =	sadd.s32 $0xA30, s9;
	v4 =	vor.u32 s25, v39;
	s25 =	rddreg [dreg:$0x18]  }
0x27: {  	s31 =	sadd.s32 $0xA10, s9;
	s7 =	sadd.s32 $0xA20, s9;
	v13 =	vor.u32 s5, v39;
	s5 =	rddreg [dreg:$0x17]  }
0x28: {  	s6 =	sadd.s32 $0xA40, s9;
	s13 =	sadd.s32 $0xF20, s9;
	s8 =	rddreg [dreg:$0x16]  }
0x29: {  	s21 =	sadd.s32 $0x4E0, s12;
	v17 =	vor.u32 s13, v39;
	s0 =	sadd.s32 $0x1E20, s9;
	s13 =	sld [smem:$0x7FC]  }
0x2a: {  	v1 =	vor.u32 s22, v39;
	v14 =	vor.u32 s6, v39;
	s6 =	sadd.s32 $0x30, s17;
	s22 =	sadd.s32 s15, s21;
	[dreg:$0x1e] =	wrdreg s0  }
0x2b: {  	v3 =	vor.u32 s24, v39;
	v12 =	vor.u32 s7, v39;
	s7 =	simm.s32 $0x3;
	s24 =	sadd.s32 s2, s21;
	[dreg:$0x11] =	wrdreg s22  }
0x2c: {  	s20 =	sadd.s32 $0x10, s12;
	s14 =	sadd.s32 $0xF30, s9;
	[dreg:$0x12] =	wrdreg s24  }
0x2d: {  	s12 =	sadd.s32 $0xF10, s9;
	s16 =	sadd.s32 $0xF40, s9;
	v18 =	vor.u32 s14, v39;
	s14 =	sld [smem:$0x7FD]  }
0x2e: {  	v11 =	vor.u32 s31, v39;
	s31 =	sadd.s32 $0x40, s10;
	s18 =	sadd.s32 $0x1430, s9;
	v19 =	vor.u32 s16, v39;
	s16 =	rddreg [dreg:$0x1f]  }
0x2f: {  	s26 =	simm.s32 $0x50;
	s0 =	sadd.s32 $0x1E30, s9;
	v23 =	vor.u32 s18, v39;
	s18 =	rddreg [dreg:$0x15]  }
0x30: {  	s21 =	sadd.s32 $0x30, s10;
	[dreg:$0x1b] =	wrdreg s0;
	s0 =	sadd.s32 $0x1E40, s9  }
0x31: {  	v0 =	vor.u32 s9, v39;
	s22 =	sadd.s32 $0x10, s17;
	s9 =	smax.u32 s25, $0x1;
	[dreg:$0x1c] =	wrdreg s0  }
0x32: {  	s25 =	sadd.s32 $0x20, s17;
	v24 =	vor.u32 s16, v39;
	s16 =	simm.s32 $0x1BE00;
	[dreg:$0x13] =	wrdreg s9  }
0x33: {  	v35 =	vor.u32 s17, v39;
	v30 =	vor.u32 s18, v39;
	s17 =	simm.s32 $0x17C80;
	s18 =	simm.s32 $0x1;
	s9 =	rddreg [dreg:$0x19]  }
0x34: {  	v28 =	vor.u32 s21, v39;
	s0 =	sadd.s32 s15, s20;
	s20 =	sadd.s32 s2, s20;
	s21 =	rddreg [dreg:$0x1b]  }
0x35: {  	v40 =	vimm.f32 $0.0e+00;
	v21 =	vor.u32 s13, v39;
	s13 =	simm.s32 $0x80;
	v37 =	vor.u32 s25, v39;
	s25 =	simm.s32 $0x1BF00;
	[dreg:$0xf] =	wrdreg s0  }
0x36: {  	v41 =	vimm.f32 $1.000000000e+00;
	v25 =	vor.u32 s10, v39;
	v38 =	vor.u32 s6, v39;
	s0 =	sadd.s32 $0x180, s19;
	[dreg:$0x10] =	wrdreg s20;
	s19 =	sadd.s32 $0x10, s10  }
.Ltmp0:
0x37: {  	v16 =	vor.u32 s12, v39;
	v29 =	vor.u32 s31, v39;
	v10 =	vor.u32 s9, v39;
	s20 =	sadd.s32 $0x20, s10;
	s9 =	simm.s32 $0x5;
	(pc) =	sbr.rel .LBB2_1-.Ltmp0, $4  }
0x38: {  	v5 =	vor.u32 s23, v39;
	v15 =	vor.u32 s5, v39;
	v22 =	vor.u32 s14, v39;
	s10 =	simm.s32 $0x1BD80;
	s14 =	simm.s32 $0x1BD00;
	s31 =	rddreg [dreg:$0x1c]  }
0x39: {  	v20 =	vor.u32 s8, v39;
	v33 =	vor.u32 s21, v39;
	s21 =	simm.s32 $0x4;
	s0 =	sshrl.u32 s0, $0x3;
	v26 =	vor.u32 s19, v39;
	s19 =	rddreg [dreg:$0x1d]  }
0x3a: {  	v36 =	vor.u32 s22, v39;
	v27 =	vor.u32 s20, v39;
	s20 =	rddreg [dreg:$0x1e];
	v34 =	vor.u32 s31, v39;
	s23 =	sadd.s32 s0, s2;
	s24 =	sadd.s32 s0, s15  }
0x3b: {  	v31 =	vor.u32 s19, v39;
	v32 =	vor.u32 s20, v39;
	s19 =	simm.s32 $0x1BF80;
	s20 =	simm.s32 $0x2;
	v39 =	vor.u32 s28, v39;
	s28 =	simm.s32 $0x10  }
.LBB2_8:
0x3c: {  	_ =	swait.ge [sflag:s7], $0x4000  }
0x3d: {  	[sflag:s7] =	ssyncset.done $0x0  }
0x3e: {  	[sflag:s7] =	ssyncadd.s32 $0xFFFFC000  }
0x3f: {  	_ =	swait.ge [sflag:s21], $0x4000  }
0x40: {  	[sflag:s21] =	ssyncset.done $0x0  }
0x41: {  	s5 =	simm.s32 $0x1BE80;
	s0 =	rddreg [dreg:$0x11];
	[sflag:s21] =	ssyncadd.s32 $0xFFFFC000  }
0x42: {  	[tilespmem:s5], [sflag:$0x5] =	stream.linear.gather [hbm4b:s0+s4], $0x10, $0x38;
	[tilespmem:$0x1E700] =	vst v63  }
0x43: {  	_ =	swait.ge [sflag:s9], $0x10  }
0x44: {  	[sflag:s9] =	ssyncset.done $0x0  }
0x45: {  	s8 =	rddreg [dreg:$0x12];
	[sflag:s9] =	ssyncadd.s32 $0xFFFFFFF0  }
0x46: {  	[tilespmem:s25], [sflag:$0x5] =	stream.linear.gather [hbm4b:s8+s4], $0x10, $0x38;
	[tilespmem:$0x1E700] =	vst v63  }
0x47: {  	_ =	swait.ge [sflag:s9], $0x10  }
0x48: {  	[sflag:s9] =	ssyncset.done $0x0  }
0x49: {  	[sflag:s9] =	ssyncadd.s32 $0xFFFFFFF0  }
0x4a: {  	[tilespmem:s29], [sflag:$0x1] =	stream.indirect.gather [hbm4b:s1+s28], $0x80, s5, s28, $0xb8;
	[tilespmem:$0x1E700] =	vst v63  }
0x4b: {  	_ =	swait.ge [sflag:s18], $0x800  }
0x4c: {  	[sflag:s18] =	ssyncset.done $0x0  }
0x4d: {  	[sflag:s18] =	ssyncadd.s32 $0xFFFFF800  }
0x4e: {  	[spmem:s3] =	stream.indirect.scatter.add.f32 [tilespmem:s29], [sflag:$0x5], $0x80, s25, s28, $0xb8;
	[tilespmem:$0x1E700] =	vst v63  }
0x4f: {  	_ =	swait.ge [sflag:s9], $0x800  }
0x50: {  	[sflag:s9] =	ssyncset.done $0x0  }
0x51: {  	[sflag:s9] =	ssyncadd.s32 $0xFFFFF800  }
0x52: {  	v42 =	vld [tilespmem:$0x1BF00];
	_ =	sdelay $0x7  }
0x53: {  	[tilespmem:v42+s19+$0x0] =	vst.idx.add.f32.msk $0xffff, v41  }
0x54: {  	s12 =	simm.s32 $0x13880;
	[bflag:$0x0] =	sbarrier.arrive $0xFFFF  }
0x55: {  	[tilespmem:s29], [sflag:$0x1] =	stream.indirect.gather [spmem:s3], $0x80, s12, s26, $0xb8;
	[tilespmem:$0x1E700] =	vst v63  }
0x56: {  	s22 =	simm.s32 $0x13900  }
0x57: {  	[tilespmem:s17], [sflag:$0x2] =	stream.indirect.gather [spmem:s3], $0x80, s22, s26, $0xb8;
	[tilespmem:$0x1E700] =	vst v63  }
0x58: {  	_ =	swait.ge [sflag:s18], $0x2800  }
0x59: {  	[sflag:s18] =	ssyncset.done $0x0  }
0x5a: {  	s31 =	rddreg [dreg:$0x5];
	[sflag:s18] =	ssyncadd.s32 $0xFFFFD800  }
0x5b: {  	[hbm4b:s31+s4] =	stream.linear.scatter [tilespmem:s29], [sflag:$0x3], $0x2800, $0x38;
	[tilespmem:$0x1E700] =	vst v63  }
0x5c: {  	_ =	swait.ge [sflag:s7], $0x2800  }
0x5d: {  	[sflag:s7] =	ssyncset.done $0x0  }
0x5e: {  	s5 =	simm.s32 $0x13980;
	[sflag:s7] =	ssyncadd.s32 $0xFFFFD800  }
0x5f: {  	[tilespmem:s29], [sflag:$0x1] =	stream.indirect.gather [spmem:s3], $0x80, s5, s26, $0xb8;
	[tilespmem:$0x1E700] =	vst v63  }
0x60: {  	_ =	swait.ge [sflag:s20], $0x2800  }
0x61: {  	[sflag:s20] =	ssyncset.done $0x0  }
0x62: {  	s6 =	rddreg [dreg:$0x6];
	[sflag:s20] =	ssyncadd.s32 $0xFFFFD800  }
0x63: {  	[hbm4b:s6+s4] =	stream.linear.scatter [tilespmem:s17], [sflag:$0x4], $0x2800, $0x38;
	[tilespmem:$0x1E700] =	vst v63  }
0x64: {  	_ =	swait.ge [sflag:s21], $0x2800  }
0x65: {  	[sflag:s21] =	ssyncset.done $0x0  }
0x66: {  	s8 =	simm.s32 $0x13A00;
	[sflag:s21] =	ssyncadd.s32 $0xFFFFD800  }
0x67: {  	[tilespmem:s17], [sflag:$0x2] =	stream.indirect.gather [spmem:s3], $0x80, s8, s26, $0xb8;
	[tilespmem:$0x1E700] =	vst v63  }
0x68: {  	_ =	swait.ge [sflag:s18], $0x2800  }
0x69: {  	[sflag:s18] =	ssyncset.done $0x0  }
0x6a: {  	s12 =	rddreg [dreg:$0x7];
	[sflag:s18] =	ssyncadd.s32 $0xFFFFD800  }
0x6b: {  	[hbm4b:s12+s4] =	stream.linear.scatter [tilespmem:s29], [sflag:$0x3], $0x2800, $0x38;
	[tilespmem:$0x1E700] =	vst v63  }
0x6c: {  	_ =	swait.ge [sflag:s7], $0x2800  }
0x6d: {  	[sflag:s7] =	ssyncset.done $0x0  }
0x6e: {  	s22 =	simm.s32 $0x13A80;
	[sflag:s7] =	ssyncadd.s32 $0xFFFFD800  }
0x6f: {  	[tilespmem:s29], [sflag:$0x1] =	stream.indirect.gather [spmem:s3], $0x80, s22, s26, $0xb8;
	[tilespmem:$0x1E700] =	vst v63  }
0x70: {  	_ =	swait.ge [sflag:s20], $0x2800  }
0x71: {  	[sflag:s20] =	ssyncset.done $0x0  }
0x72: {  	s31 =	rddreg [dreg:$0x8];
	[sflag:s20] =	ssyncadd.s32 $0xFFFFD800  }
0x73: {  	[hbm4b:s31+s4] =	stream.linear.scatter [tilespmem:s17], [sflag:$0x4], $0x2800, $0x38;
	[tilespmem:$0x1E700] =	vst v63  }
0x74: {  	_ =	swait.ge [sflag:s21], $0x2800  }
0x75: {  	[sflag:s21] =	ssyncset.done $0x0  }
0x76: {  	s5 =	simm.s32 $0x13B00;
	[sflag:s21] =	ssyncadd.s32 $0xFFFFD800  }
0x77: {  	[tilespmem:s17], [sflag:$0x2] =	stream.indirect.gather [spmem:s3], $0x80, s5, s26, $0xb8;
	[tilespmem:$0x1E700] =	vst v63  }
0x78: {  	_ =	swait.ge [sflag:s18], $0x2800  }
0x79: {  	[sflag:s18] =	ssyncset.done $0x0  }
0x7a: {  	s6 =	rddreg [dreg:$0x9];
	[sflag:s18] =	ssyncadd.s32 $0xFFFFD800  }
0x7b: {  	[hbm4b:s6+s4] =	stream.linear.scatter [tilespmem:s29], [sflag:$0x3], $0x2800, $0x38;
	[tilespmem:$0x1E700] =	vst v63  }
0x7c: {  	_ =	swait.ge [sflag:s7], $0x2800  }
0x7d: {  	[sflag:s7] =	ssyncset.done $0x0  }
0x7e: {  	s8 =	simm.s32 $0x13B80;
	[sflag:s7] =	ssyncadd.s32 $0xFFFFD800  }
0x7f: {  	[tilespmem:s29], [sflag:$0x1] =	stream.indirect.gather [spmem:s3], $0x80, s8, s26, $0xb8;
	[tilespmem:$0x1E700] =	vst v63  }
0x80: {  	_ =	swait.ge [sflag:s20], $0x2800  }
0x81: {  	[sflag:s20] =	ssyncset.done $0x0  }
0x82: {  	s0 =	simm.s32 @p0 $0x1;
	s12 =	rddreg [dreg:$0xa];
	[sflag:s20] =	ssyncadd.s32 $0xFFFFD800  }
0x83: {  	[hbm4b:s12+s4] =	stream.linear.scatter [tilespmem:s17], [sflag:$0x4], $0x2800, $0x38;
	[tilespmem:$0x1E700] =	vst v63  }
0x84: {  	_ =	swait.ge @p0 [sflag:s0], $0x2800  }
0x85: {  	[sflag:s0] =	ssyncset.done @p0 $0x0  }
0x86: {  	s5 =	simm.s32 @p0 $0x13C80;
	[sflag:s0] =	ssyncadd.s32 @p0 $0xFFFFD800;
	s0 =	simm.s32 @p0 $0x0  }
0x87: {  	[hbm4b:s11+s0] =	stream.linear.scatter @p0 [tilespmem:s5], [sflag:$0x3], $0x2800, $0x38;
	[tilespmem:$0x1E700] =	vst v63  }
0x88: {  	s0 =	simm.s32 @!p0 $0x4  }
0x89: {  	_ =	swait.ge @!p0 [sflag:s0], $0x2800  }
0x8a: {  	s6 =	simm.s32 @!p0 $0x13C00;
	[sflag:s0] =	ssyncset.done @!p0 $0x0  }
0x8b: {  	s8 =	simm.s32 @!p0 $0x17C80;
	s5 =	simm.s32 @!p0 $0x50;
	[sflag:s0] =	ssyncadd.s32 @!p0 $0xFFFFD800  }
0x8c: {  	[tilespmem:s8], [sflag:$0x2] =	stream.indirect.gather @!p0 [spmem:s3], $0x80, s6, s5, $0xb8;
	[tilespmem:$0x1E700] =	vst v63  }
0x8d: {  	s5 =	simm.s32 @!p0 $0x1  }
0x8e: {  	_ =	swait.ge @!p0 [sflag:s5], $0x2800  }
0x8f: {  	[sflag:s5] =	ssyncset.done @!p0 $0x0  }
0x90: {  	s6 =	simm.s32 @!p0 $0x13C80;
	[sflag:s5] =	ssyncadd.s32 @!p0 $0xFFFFD800;
	s5 =	simm.s32 @!p0 $0x0  }
0x91: {  	[hbm4b:s11+s5] =	stream.linear.scatter @!p0 [tilespmem:s6], [sflag:$0x3], $0x2800, $0x38;
	[tilespmem:$0x1E700] =	vst v63  }
0x92: {  	s6 =	simm.s32 @!p0 $0x2  }
0x93: {  	_ =	swait.ge @!p0 [sflag:s6], $0x2800  }
0x94: {  	[sflag:s6] =	ssyncset.done @!p0 $0x0  }
0x95: {  	[sflag:s6] =	ssyncadd.s32 @!p0 $0xFFFFD800;
	s6 =	rddreg [dreg:$0xb]  }
0x96: {  	[hbm4b:s6+s5] =	stream.linear.scatter @!p0 [tilespmem:s8], [sflag:$0x4], $0x2800, $0x38;
	[tilespmem:$0x1E700] =	vst v63  }
0x97: {  	s5 =	simm.s32 @!p0 $0x3  }
0x98: {  	s5 =	simm.s32 @p0 $0x4  }
0x99: {  	_ =	swait.ge [sflag:s5], $0x2800  }
0x9a: {  	[sflag:s5] =	ssyncset.done $0x0  }
0x9b: {  	s0 =	simm.s32 @p0 $0x3;
	[sflag:s5] =	ssyncadd.s32 $0xFFFFD800  }
0x9c: {  	_ =	swait.ge [sflag:s0], $0x2800  }
0x9d: {  	[sflag:s0] =	ssyncset.done $0x0  }
0x9e: {  	s22 =	rddreg [dreg:$0xc];
	[sflag:s0] =	ssyncadd.s32 $0xFFFFD800  }
0x9f: {  	[hbm4b:s22+s4] =	stream.linear.scatter [tilespmem:s19], [sflag:$0x5], $0x2780, $0x38;
	[tilespmem:$0x1E700] =	vst v63  }
0xa0: {  	_ =	swait.ge [sflag:s9], $0x2780  }
0xa1: {  	s30 =	sadd.s32 $0x1, s30;
	s31 =	rddreg [dreg:$0x13]  }
0xa2: {  	p1 =	sne.s32 s30, s31  }
.Ltmp1:
0xa3: {  	_ = 	snop;
	(pc) =	sbr.rel @!p1 .LBB2_9-.Ltmp1, $3  }
0xa4: {  	_ =	sdelay $0x1  }
0xa5: {  	[sflag:s9] =	ssyncset.done $0x0  }
0xa6: {  	[sflag:s9] =	ssyncadd.s32 $0xFFFFD880  }
.LBB2_1:
0xa7: {  	s12 =	simm.s32 $0x0;
	s31 =	simm.s32 $0x200  }
.LBB2_2:
0xa8: {  	p1 =	sne.s32 s31, $0x9E00;
	[tilespmem:s12+$0x13CF0] =	vst v40  }
0xa9: {  	[tilespmem:s12+$0x13C80] =	vst v40  }
0xaa: {  	[tilespmem:s12+$0x13C90] =	vst v40  }
.Ltmp2:
0xab: {  	[tilespmem:s12+$0x13CA0] =	vst v40;
	(pc) =	sbr.rel @p1 .LBB2_2-.Ltmp2, $4  }
0xac: {  	[tilespmem:s12+$0x13CB0] =	vst v40  }
0xad: {  	[tilespmem:s12+$0x13CC0] =	vst v40  }
0xae: {  	[tilespmem:s12+$0x13CD0] =	vst v40  }
0xaf: {  	[tilespmem:s12+$0x13CE0] =	vst v40;
	s12 =	sshra.s32 s31, $0x2;
	s31 =	sadd.s32 $0x200, s31  }
0xb0: {  	[tilespmem:s12+$0x13CF0] =	vst v40  }
0xb1: {  	[tilespmem:s12+$0x13C80] =	vst v40  }
0xb2: {  	[tilespmem:s12+$0x13C90] =	vst v40  }
0xb3: {  	[tilespmem:s12+$0x13CA0] =	vst v40  }
0xb4: {  	[tilespmem:s12+$0x13CB0] =	vst v40  }
0xb5: {  	[tilespmem:s12+$0x13CC0] =	vst v40  }
0xb6: {  	[tilespmem:s12+$0x13CD0] =	vst v40  }
0xb7: {  	[tilespmem:s12+$0x13CE0] =	vst v40  }
0xb8: {  	[tilespmem:$0x13880] =	vst v0  }
0xb9: {  	[tilespmem:$0x13890] =	vst v1  }
0xba: {  	[tilespmem:$0x138A0] =	vst v2  }
0xbb: {  	[tilespmem:$0x138B0] =	vst v3  }
0xbc: {  	[tilespmem:$0x138C0] =	vst v4  }
0xbd: {  	[tilespmem:$0x13900] =	vst v5  }
0xbe: {  	[tilespmem:$0x13910] =	vst v6  }
0xbf: {  	[tilespmem:$0x13920] =	vst v7  }
0xc0: {  	[tilespmem:$0x13930] =	vst v8  }
0xc1: {  	[tilespmem:$0x13940] =	vst v9  }
0xc2: {  	[tilespmem:$0x13980] =	vst v10  }
0xc3: {  	[tilespmem:$0x13990] =	vst v11  }
0xc4: {  	[tilespmem:$0x139A0] =	vst v12  }
0xc5: {  	[tilespmem:$0x139B0] =	vst v13  }
0xc6: {  	[tilespmem:$0x139C0] =	vst v14  }
0xc7: {  	[tilespmem:$0x13A00] =	vst v15  }
0xc8: {  	[tilespmem:$0x13A10] =	vst v16  }
0xc9: {  	[tilespmem:$0x13A20] =	vst v17  }
0xca: {  	[tilespmem:$0x13A30] =	vst v18  }
0xcb: {  	[tilespmem:$0x13A40] =	vst v19  }
0xcc: {  	[tilespmem:$0x13A80] =	vst v20  }
0xcd: {  	[tilespmem:$0x13A90] =	vst v21  }
0xce: {  	[tilespmem:$0x13AA0] =	vst v22  }
0xcf: {  	[tilespmem:$0x13AB0] =	vst v23  }
0xd0: {  	[tilespmem:$0x13AC0] =	vst v24  }
0xd1: {  	[tilespmem:$0x13B00] =	vst v25  }
0xd2: {  	[tilespmem:$0x13B10] =	vst v26  }
0xd3: {  	[tilespmem:$0x13B20] =	vst v27  }
0xd4: {  	[tilespmem:$0x13B30] =	vst v28  }
0xd5: {  	[tilespmem:$0x13B40] =	vst v29  }
0xd6: {  	[tilespmem:$0x13B80] =	vst v30  }
0xd7: {  	[tilespmem:$0x13B90] =	vst v31  }
0xd8: {  	[tilespmem:$0x13BA0] =	vst v32  }
0xd9: {  	[tilespmem:$0x13BB0] =	vst v33  }
0xda: {  	[tilespmem:$0x13BC0] =	vst v34  }
0xdb: {  	[tilespmem:$0x13C00] =	vst v35  }
0xdc: {  	[tilespmem:$0x13C10] =	vst v36  }
0xdd: {  	[tilespmem:$0x13C20] =	vst v37  }
0xde: {  	[tilespmem:$0x13C30] =	vst v38  }
0xdf: {  	s0 =	simm.s32 $0x13880;
	[tilespmem:$0x13C40] =	vst v39  }
0xe0: {  	[spmem:s3] =	stream.indirect.scatter [tilespmem:s29], [sflag:$0x3], $0x80, s0, s26, $0xb8;
	[tilespmem:$0x1E700] =	vst v63  }
0xe1: {  	s22 =	simm.s32 $0x13900  }
0xe2: {  	[spmem:s3] =	stream.indirect.scatter [tilespmem:s29], [sflag:$0x3], $0x80, s22, s26, $0xb8;
	[tilespmem:$0x1E700] =	vst v63  }
0xe3: {  	s5 =	simm.s32 $0x13980  }
0xe4: {  	[spmem:s3] =	stream.indirect.scatter [tilespmem:s29], [sflag:$0x3], $0x80, s5, s26, $0xb8;
	[tilespmem:$0x1E700] =	vst v63  }
0xe5: {  	s6 =	simm.s32 $0x13A00  }
0xe6: {  	[spmem:s3] =	stream.indirect.scatter [tilespmem:s29], [sflag:$0x3], $0x80, s6, s26, $0xb8;
	[tilespmem:$0x1E700] =	vst v63  }
0xe7: {  	s8 =	simm.s32 $0x13A80  }
0xe8: {  	[spmem:s3] =	stream.indirect.scatter [tilespmem:s29], [sflag:$0x3], $0x80, s8, s26, $0xb8;
	[tilespmem:$0x1E700] =	vst v63  }
0xe9: {  	s12 =	simm.s32 $0x13B00  }
0xea: {  	[spmem:s3] =	stream.indirect.scatter [tilespmem:s29], [sflag:$0x3], $0x80, s12, s26, $0xb8;
	[tilespmem:$0x1E700] =	vst v63  }
0xeb: {  	s22 =	simm.s32 $0x13B80  }
0xec: {  	[spmem:s3] =	stream.indirect.scatter [tilespmem:s29], [sflag:$0x3], $0x80, s22, s26, $0xb8;
	[tilespmem:$0x1E700] =	vst v63  }
0xed: {  	s31 =	simm.s32 @!p0 $0x13C00;
	s0 =	simm.s32 @!p0 $0x13C80;
	s12 =	simm.s32 @!p0 $0x50  }
0xee: {  	[spmem:s3] =	stream.indirect.scatter @!p0 [tilespmem:s0], [sflag:$0x3], $0x80, s31, s12, $0xb8;
	[tilespmem:$0x1E700] =	vst v63  }
0xef: {  	s12 =	simm.s32 $0x40;
	s31 =	simm.s32 $0x0  }
.LBB2_4:
0xf0: {  	p1 =	sne.s32 s12, $0x9C00;
	[tilespmem:s31+$0x1BF80] =	vst v40;
	s0 =	smov.u32 s12;
	s12 =	sadd.s32 $0x40, s12  }
.Ltmp3:
0xf1: {  	(pc) =	sbr.rel @p1 .LBB2_4-.Ltmp3, $2  }
0xf2: {  	_ =	sdelay $0x2  }
0xf3: {  	s31 =	sshra.s32 s0, $0x2  }
0xf4: {  	[tilespmem:s31+$0x1BF80] =	vst v40  }
0xf5: {  	_ =	swait.ge [sflag:s7], $0x2800  }
0xf6: {  	[sflag:s7] =	ssyncset.done $0x0  }
0xf7: {  	[sflag:s7] =	ssyncadd.s32 $0xFFFFD800  }
0xf8: {  	_ =	swait.ge [sflag:s7], $0x2800  }
0xf9: {  	[sflag:s7] =	ssyncset.done $0x0  }
0xfa: {  	[sflag:s7] =	ssyncadd.s32 $0xFFFFD800  }
0xfb: {  	_ =	swait.ge [sflag:s7], $0x2800  }
0xfc: {  	[sflag:s7] =	ssyncset.done $0x0  }
0xfd: {  	[sflag:s7] =	ssyncadd.s32 $0xFFFFD800  }
0xfe: {  	_ =	swait.ge [sflag:s7], $0x2800  }
0xff: {  	[sflag:s7] =	ssyncset.done $0x0  }
0x100: {  	[sflag:s7] =	ssyncadd.s32 $0xFFFFD800  }
0x101: {  	_ =	swait.ge [sflag:s7], $0x2800  }
0x102: {  	[sflag:s7] =	ssyncset.done $0x0  }
0x103: {  	[sflag:s7] =	ssyncadd.s32 $0xFFFFD800  }
0x104: {  	_ =	swait.ge [sflag:s7], $0x2800  }
0x105: {  	[sflag:s7] =	ssyncset.done $0x0  }
0x106: {  	[sflag:s7] =	ssyncadd.s32 $0xFFFFD800  }
0x107: {  	_ =	swait.ge [sflag:s7], $0x2800  }
0x108: {  	[sflag:s7] =	ssyncset.done $0x0  }
0x109: {  	s0 =	simm.s32 @!p0 $0x3;
	[sflag:s7] =	ssyncadd.s32 $0xFFFFD800  }
0x10a: {  	_ =	swait.ge @!p0 [sflag:s0], $0x2800  }
0x10b: {  	[sflag:s0] =	ssyncset.done @!p0 $0x0  }
0x10c: {  	[sflag:s0] =	ssyncadd.s32 @!p0 $0xFFFFD800  }
0x10d: {  	[bflag:$0x0] =	sbarrier.arrive $0xFFFF  }
0x10e: {  	s31 =	simm.s32 $0x0;
	s5 =	simm.s32 $0x1BC80;
	s6 =	rddreg [dreg:$0xd]  }
0x10f: {  	[tilespmem:s5], [sflag:$0x5] =	stream.linear.gather [hbm4b:s6+s31], $0x80, $0x38;
	[tilespmem:$0x1E700] =	vst v63  }
0x110: {  	_ =	swait.ge [sflag:s9], $0x80  }
0x111: {  	[sflag:s9] =	ssyncset.done $0x0  }
0x112: {  	s8 =	rddreg [dreg:$0xe];
	[sflag:s9] =	ssyncadd.s32 $0xFFFFFF80  }
0x113: {  	[tilespmem:s10], [sflag:$0x5] =	stream.linear.gather [hbm4b:s8+s31], $0x80, $0x38;
	[tilespmem:$0x1E700] =	vst v63  }
0x114: {  	_ =	swait.ge [sflag:s9], $0x80  }
0x115: {  	[sflag:s9] =	ssyncset.done $0x0  }
0x116: {  	[sflag:s9] =	ssyncadd.s32 $0xFFFFFF80  }
0x117: {  	[tilespmem:s29], [sflag:$0x1] =	stream.indirect.gather [hbm4b:s1+s13], $0x80, s5, s13, $0xb8;
	[tilespmem:$0x1E700] =	vst v63  }
0x118: {  	s12 =	rddreg [dreg:$0xf]  }
0x119: {  	[tilespmem:s14], [sflag:$0x5] =	stream.linear.gather [hbm4b:s12+s31], $0x80, $0x38;
	[tilespmem:$0x1E700] =	vst v63  }
0x11a: {  	_ =	swait.ge [sflag:s9], $0x80  }
0x11b: {  	[sflag:s9] =	ssyncset.done $0x0  }
0x11c: {  	s22 =	rddreg [dreg:$0x10];
	[sflag:s9] =	ssyncadd.s32 $0xFFFFFF80  }
0x11d: {  	[tilespmem:s16], [sflag:$0x5] =	stream.linear.gather [hbm4b:s22+s31], $0x80, $0x38;
	[tilespmem:$0x1E700] =	vst v63  }
0x11e: {  	_ =	swait.ge [sflag:s9], $0x80  }
0x11f: {  	[sflag:s9] =	ssyncset.done $0x0  }
0x120: {  	s12 =	rddreg [dreg:$0x14];
	[sflag:s9] =	ssyncadd.s32 $0xFFFFFF80  }
0x121: {  	[tilespmem:s17], [sflag:$0x2] =	stream.indirect.gather [hbm4b:s1+s13], $0x80, s14, s13, $0xb8;
	[tilespmem:$0x1E700] =	vst v63  }
.LBB2_6:
0x122: {  	_ =	swait.ge [sflag:s18], $0x4000  }
0x123: {  	[sflag:s18] =	ssyncset.done $0x0  }
0x124: {  	[sflag:s18] =	ssyncadd.s32 $0xFFFFC000  }
0x125: {  	[spmem:s3] =	stream.indirect.scatter.add.f32 [tilespmem:s29], [sflag:$0x3], $0x80, s10, s13, $0xb8;
	[tilespmem:$0x1E700] =	vst v63  }
0x126: {  	v42 =	vld [tilespmem:$0x1BD80];
	_ =	sdelay $0x7  }
0x127: {  	[tilespmem:v42+s19+$0x0] =	vst.idx.add.f32.msk $0xffff, v41  }
0x128: {  	v42 =	vld [tilespmem:$0x1BD90];
	_ =	sdelay $0x7  }
0x129: {  	[tilespmem:v42+s19+$0x0] =	vst.idx.add.f32.msk $0xffff, v41  }
0x12a: {  	v42 =	vld [tilespmem:$0x1BDA0];
	_ =	sdelay $0x7  }
0x12b: {  	[tilespmem:v42+s19+$0x0] =	vst.idx.add.f32.msk $0xffff, v41  }
0x12c: {  	v42 =	vld [tilespmem:$0x1BDB0];
	_ =	sdelay $0x7  }
0x12d: {  	[tilespmem:v42+s19+$0x0] =	vst.idx.add.f32.msk $0xffff, v41  }
0x12e: {  	v42 =	vld [tilespmem:$0x1BDC0];
	_ =	sdelay $0x7  }
0x12f: {  	[tilespmem:v42+s19+$0x0] =	vst.idx.add.f32.msk $0xffff, v41  }
0x130: {  	v42 =	vld [tilespmem:$0x1BDD0];
	_ =	sdelay $0x7  }
0x131: {  	[tilespmem:v42+s19+$0x0] =	vst.idx.add.f32.msk $0xffff, v41  }
0x132: {  	v42 =	vld [tilespmem:$0x1BDE0];
	_ =	sdelay $0x7  }
0x133: {  	[tilespmem:v42+s19+$0x0] =	vst.idx.add.f32.msk $0xffff, v41  }
0x134: {  	v42 =	vld [tilespmem:$0x1BDF0];
	_ =	sdelay $0x6  }
0x135: {  	p1 =	seq.s32 s31, $0x4C0  }
0x136: {  	s0 =	simm.s32 @!p1 $0x3;
	[tilespmem:v42+s19+$0x0] =	vst.idx.add.f32.msk $0xffff, v41  }
0x137: {  	_ =	swait.ge @!p1 [sflag:s0], $0x4000  }
0x138: {  	[sflag:s0] =	ssyncset.done @!p1 $0x0  }
0x139: {  	[sflag:s0] =	ssyncadd.s32 @!p1 $0xFFFFC000;
	s0 =	sshrl.u32 @!p1 s12, $0x3  }
0x13a: {  	s6 =	simm.s32 @!p1 $0x0;
	s8 =	simm.s32 @!p1 $0x1BC80;
	s5 =	sadd.s32 @!p1 s15, s0  }
0x13b: {  	[tilespmem:s8], [sflag:$0x5] =	stream.linear.gather @!p1 [hbm4b:s5+s6], $0x80, $0x38;
	[tilespmem:$0x1E700] =	vst v63  }
0x13c: {  	s5 =	simm.s32 @!p1 $0x5  }
0x13d: {  	_ =	swait.ge @!p1 [sflag:s5], $0x80  }
0x13e: {  	[sflag:s5] =	ssyncset.done @!p1 $0x0  }
0x13f: {  	s22 =	simm.s32 @!p1 $0x1BD80;
	s0 =	sadd.s32 @!p1 s2, s0;
	[sflag:s5] =	ssyncadd.s32 @!p1 $0xFFFFFF80  }
0x140: {  	[tilespmem:s22], [sflag:$0x5] =	stream.linear.gather @!p1 [hbm4b:s0+s6], $0x80, $0x38;
	[tilespmem:$0x1E700] =	vst v63  }
0x141: {  	_ =	swait.ge @!p1 [sflag:s5], $0x80  }
0x142: {  	[sflag:s5] =	ssyncset.done @!p1 $0x0  }
0x143: {  	s0 =	simm.s32 @!p1 $0x80;
	[sflag:s5] =	ssyncadd.s32 @!p1 $0xFFFFFF80;
	s5 =	simm.s32 @!p1 $0x13C80  }
0x144: {  	[tilespmem:s5], [sflag:$0x1] =	stream.indirect.gather @!p1 [hbm4b:s1+s0], $0x80, s8, s0, $0xb8;
	[tilespmem:$0x1E700] =	vst v63  }
0x145: {  	_ =	swait.ge [sflag:s20], $0x4000  }
0x146: {  	[sflag:s20] =	ssyncset.done $0x0  }
0x147: {  	[sflag:s20] =	ssyncadd.s32 $0xFFFFC000  }
0x148: {  	[spmem:s3] =	stream.indirect.scatter.add.f32 [tilespmem:s17], [sflag:$0x4], $0x80, s16, s13, $0xb8;
	[tilespmem:$0x1E700] =	vst v63  }
0x149: {  	v63 =	vld [tilespmem:$0x1BE00];
	_ =	sdelay $0x7  }
0x14a: {  	[tilespmem:v63+s19+$0x0] =	vst.idx.add.f32.msk $0xffff, v41  }
0x14b: {  	v42 =	vld [tilespmem:$0x1BE10];
	_ =	sdelay $0x7  }
0x14c: {  	[tilespmem:v42+s19+$0x0] =	vst.idx.add.f32.msk $0xffff, v41  }
0x14d: {  	v42 =	vld [tilespmem:$0x1BE20];
	_ =	sdelay $0x7  }
0x14e: {  	[tilespmem:v42+s19+$0x0] =	vst.idx.add.f32.msk $0xffff, v41  }
0x14f: {  	v42 =	vld [tilespmem:$0x1BE30];
	_ =	sdelay $0x7  }
0x150: {  	[tilespmem:v42+s19+$0x0] =	vst.idx.add.f32.msk $0xffff, v41  }
0x151: {  	v42 =	vld [tilespmem:$0x1BE40];
	_ =	sdelay $0x7  }
0x152: {  	[tilespmem:v42+s19+$0x0] =	vst.idx.add.f32.msk $0xffff, v41  }
0x153: {  	v42 =	vld [tilespmem:$0x1BE50];
	_ =	sdelay $0x7  }
0x154: {  	[tilespmem:v42+s19+$0x0] =	vst.idx.add.f32.msk $0xffff, v41  }
0x155: {  	v42 =	vld [tilespmem:$0x1BE60];
	_ =	sdelay $0x7  }
0x156: {  	[tilespmem:v42+s19+$0x0] =	vst.idx.add.f32.msk $0xffff, v41  }
0x157: {  	v42 =	vld [tilespmem:$0x1BE70];
	_ =	sdelay $0x3  }
.Ltmp4:
0x158: {  	_ = 	snop;
	(pc) =	sbr.rel @p1 .LBB2_8-.Ltmp4, $2  }
0x159: {  	_ =	sdelay $0x2  }
0x15a: {  	[tilespmem:v42+s19+$0x0] =	vst.idx.add.f32.msk $0xffff, v41  }
0x15b: {  	_ =	swait.ge [sflag:s21], $0x4000  }
0x15c: {  	[sflag:s21] =	ssyncset.done $0x0  }
0x15d: {  	s0 =	sadd.s32 s31, s24;
	[sflag:s21] =	ssyncadd.s32 $0xFFFFC000  }
0x15e: {  	[tilespmem:s14], [sflag:$0x5] =	stream.linear.gather [hbm4b:s0+s4], $0x80, $0x38;
	[tilespmem:$0x1E700] =	vst v63  }
0x15f: {  	_ =	swait.ge [sflag:s9], $0x80  }
0x160: {  	[sflag:s9] =	ssyncset.done $0x0  }
0x161: {  	s22 =	sadd.s32 s31, s23;
	[sflag:s9] =	ssyncadd.s32 $0xFFFFFF80  }
0x162: {  	[tilespmem:s16], [sflag:$0x5] =	stream.linear.gather [hbm4b:s22+s4], $0x80, $0x38;
	[tilespmem:$0x1E700] =	vst v63  }
.Ltmp5:
0x163: {  	_ = 	snop;
	(pc) =	sbr.rel .LBB2_6-.Ltmp5, $4  }
0x164: {  	_ =	swait.ge [sflag:s9], $0x80  }
0x165: {  	[sflag:s9] =	ssyncset.done $0x0  }
0x166: {  	s31 =	sadd.s32 $0x20, s31;
	s12 =	sadd.s32 $0x100, s12;
	[sflag:s9] =	ssyncadd.s32 $0xFFFFFF80  }
0x167: {  	[tilespmem:s17], [sflag:$0x2] =	stream.indirect.gather [hbm4b:s1+s13], $0x80, s14, s13, $0xb8;
	[tilespmem:$0x1E700] =	vst v63  }
.LBB2_9:
0x168: {  	_ =	sfence.sel $0x180000  }
0x169: {  	[bflag:$0x0] =	sbarrier.arrive $0xFFFF  }
0x16a: {  	_ =	strace $0x90000047  }
0x16b: {  	s0 =	stileid.u32;
	[bflag:$0x2] =	sbarrier.arrive $0xFFFF  }
0x16c: {  	p0 =	sne.s32 s0, $0x0;
	s0 =	rddreg [dreg:$0x4]  }
0x16d: {  	s0 =	sadd.s32 @!p0 $0x100000, s0  }
0x16e: {  	[sflag:s0] =	ssyncadd.tile.s32 @!p0 $0x1;
	_ =	shalt  }
.Lfunc_end2:
_tile_overlayer_lowered:
.L_overlay_start_2:
0x16f: {  	(tag) =	ssettag $0x2  }
0x170: {  	s0 =	rddreg [dreg:$0x0];
	s2 =	stileid.u32  }
0x171: {  	s1 =	rddreg [dreg:$0x1];
	p0 =	sne.s32 s2, $0x0  }
0x172: {  	s3 =	rddreg [dreg:$0x2];
	[bflag:$0x3] =	sbarrier.arrive $0xFFFF;
	s2 =	simm.s32 @!p0 $0x1C05  }
0x173: {  	[timem:s3], [sflag:s2] =	dma.local @!p0 [hbm:s0], s1  }
0x174: {  	s0 =	simm.s32 @!p0 $0x5  }
0x175: {  	_ =	swait.ge @!p0 [sflag:s0], s1  }
0x176: {  	s1 =	ssub.s32 @!p0 $0x0, s1;
	[sflag:s0] =	ssyncset.done @!p0 $0x0  }
0x177: {  	[sflag:s0] =	ssyncadd.s32 @!p0 s1  }
0x178: {  	[bflag:$0x3] =	sbarrier.arrive $0xFFFF  }
0x179: {  	_ =	shalt  }

</sc_bundles>
